<compile_context>
chip_gen: v7x
topology: tpu7x:2x2x1
jax: 0.10.2.dev20260603
libtpu: 0.0.44.dev20260713+nightly
codegen_flags: <defaults>
</compile_context>

<pallas_src>
import functools

import jax
import jax.numpy as jnp
from jax import lax
from jax.experimental import pallas as pl
from jax.experimental.pallas import tpu as pltpu
from jax.experimental.pallas import tpu_sc as plsc

DIM = 1024
CHUNK = 8
NBUF = 8


@functools.partial(jax.jit, static_argnames=("total",))
def _gather_sc(positions_flat, table, total):
    info = plsc.get_sparse_core_info()
    nc, ns = info.num_cores, info.num_subcores
    nw = nc * ns
    b_per_w = total // nw
    n_chunks = b_per_w // CHUNK
    n_buf = NBUF
    n_rounds = n_chunks // n_buf
    mesh = plsc.VectorSubcoreMesh(core_axis_name="c", subcore_axis_name="s")

    @functools.partial(
        pl.kernel,
        mesh=mesh,
        out_type=jax.ShapeDtypeStruct((total, DIM), jnp.float32),
        scratch_types=[pltpu.VMEM((b_per_w,), jnp.int32)]
        + [pltpu.VMEM((CHUNK, DIM), jnp.float32) for _ in range(NBUF)]
        + [pltpu.SemaphoreType.DMA for _ in range(2 * NBUF)],
    )
    def k(table_hbm, idx_hbm, out_hbm, idx_v, *scr):
        bufs = scr[:NBUF]
        gsems = scr[NBUF : 2 * NBUF]
        osems = scr[2 * NBUF :]
        wid = lax.axis_index("s") * nc + lax.axis_index("c")
        base = wid * b_per_w
        pltpu.sync_copy(idx_hbm.at[pl.ds(base, b_per_w)], idx_v)

        def gather(i, b):
            return pltpu.make_async_copy(
                table_hbm.at[idx_v.at[pl.ds(i * CHUNK, CHUNK)]], bufs[b], gsems[b]
            )

        def put(i, b):
            return pltpu.make_async_copy(
                bufs[b], out_hbm.at[pl.ds(base + i * CHUNK, CHUNK)], osems[b]
            )

        for b in range(n_buf):
            gather(b, b).start()

        def round_body(p, _):
            i0 = p * n_buf
            for b in range(n_buf):
                i = i0 + b
                gather(i, b).wait()
                put(i, b).start()
            @pl.when(p + 1 < n_rounds)
            def _():
                for b in range(n_buf):
                    i = i0 + b
                    put(i, b).wait()
                    gather(i + n_buf, b).start()

            return 0

        lax.fori_loop(0, n_rounds, round_body, 0)
        for b in range(n_buf):
            put(n_chunks - n_buf + b, b).wait()

    return k(table, positions_flat)


def kernel(positions, table):
    b, s = positions.shape
    flat = positions.reshape(b * s).astype(jnp.int32)
    out = _gather_sc(flat, table, b * s)
    return out.reshape(b, s, DIM)

# --- scband reference (transcript-rebuilt; emitter-appended) ---
"""Pipeline reference for scband-absolute-40166534152508 (READ-ONLY COPY).

The authoritative reference and input builder live on the scoring server;
editing this copy changes nothing except your own understanding.
"""

import jax, jax.numpy as jnp
import numpy as np

DIM = 1024
NUM_POSITIONS = 8192
BATCH = 4
SEQ = 8192

def setup_inputs(seed: int = 0) -> dict:
    key = jax.random.key(seed)
    k1, k2 = jax.random.split(key)
    positions = jax.random.randint(k1, (BATCH, SEQ), 0, NUM_POSITIONS, dtype=jnp.int64 if jax.config.jax_enable_x64 else jnp.int32)
    # Embedding weight, initialized like torch.nn.Embedding (N(0,1))
    table = jax.random.normal(k2, (NUM_POSITIONS, DIM), dtype=jnp.float32)
    return {"positions": positions, "table": table}

def reference(positions, table):
    # Absolute.forward: self.embedding(positions) -> gather rows of the table
    return jnp.take(table, positions, axis=0)

if __name__ == "__main__":
    import jax
    _d = setup_inputs()
    print(jax.jit(kernel)(*tuple(_d.values())))

</pallas_src>

<mosaic_0001>
#map = affine_map<(d0, d1) -> (0, 0)>
#map1 = affine_map<(d0, d1) -> (0)>
module attributes {stable_mosaic.version = 14 : i64} {
  func.func @k(%arg0: i32, %arg1: i32, %arg2: memref<8192x1024xf32, #tpu.memory_space<hbm>>, %arg3: memref<32768xi32, #tpu.memory_space<hbm>>, %arg4: memref<32768x1024xf32, #tpu.memory_space<hbm>>, %arg5: memref<1024xi32, #tpu.memory_space<vmem>>, %arg6: memref<8x1024xf32, #tpu.memory_space<vmem>>, %arg7: memref<8x1024xf32, #tpu.memory_space<vmem>>, %arg8: memref<8x1024xf32, #tpu.memory_space<vmem>>, %arg9: memref<8x1024xf32, #tpu.memory_space<vmem>>, %arg10: memref<8x1024xf32, #tpu.memory_space<vmem>>, %arg11: memref<8x1024xf32, #tpu.memory_space<vmem>>, %arg12: memref<8x1024xf32, #tpu.memory_space<vmem>>, %arg13: memref<8x1024xf32, #tpu.memory_space<vmem>>, %arg14: memref<!tpu.dma_semaphore, #tpu.memory_space<semaphore_mem>>, %arg15: memref<!tpu.dma_semaphore, #tpu.memory_space<semaphore_mem>>, %arg16: memref<!tpu.dma_semaphore, #tpu.memory_space<semaphore_mem>>, %arg17: memref<!tpu.dma_semaphore, #tpu.memory_space<semaphore_mem>>, %arg18: memref<!tpu.dma_semaphore, #tpu.memory_space<semaphore_mem>>, %arg19: memref<!tpu.dma_semaphore, #tpu.memory_space<semaphore_mem>>, %arg20: memref<!tpu.dma_semaphore, #tpu.memory_space<semaphore_mem>>, %arg21: memref<!tpu.dma_semaphore, #tpu.memory_space<semaphore_mem>>, %arg22: memref<!tpu.dma_semaphore, #tpu.memory_space<semaphore_mem>>, %arg23: memref<!tpu.dma_semaphore, #tpu.memory_space<semaphore_mem>>, %arg24: memref<!tpu.dma_semaphore, #tpu.memory_space<semaphore_mem>>, %arg25: memref<!tpu.dma_semaphore, #tpu.memory_space<semaphore_mem>>, %arg26: memref<!tpu.dma_semaphore, #tpu.memory_space<semaphore_mem>>, %arg27: memref<!tpu.dma_semaphore, #tpu.memory_space<semaphore_mem>>, %arg28: memref<!tpu.dma_semaphore, #tpu.memory_space<semaphore_mem>>, %arg29: memref<!tpu.dma_semaphore, #tpu.memory_space<semaphore_mem>>) attributes {dimension_semantics = [#tpu.dimension_semantics<core_parallel>, #tpu.dimension_semantics<subcore_parallel>], iteration_bounds = array<i64: 2, 16>, scalar_prefetch = 0 : i64, scratch_operands = 25 : i64, tpu.core_type = #tpu.core_type<sc_vector_subcore>, window_params = [{transform_indices = #map}, {transform_indices = #map1}, {transform_indices = #map}]} {
    %mul3A = arith.constant 2 : i32
    %mul3A_0 = arith.muli %arg1, %mul3A : i32
    %add3A = arith.addi %mul3A_0, %arg0 : i32
    %mul3A_1 = arith.constant 1024 : i32
    %mul3A_2 = arith.muli %add3A, %mul3A_1 : i32
    "tpu.region"() ({
      %run_scoped3A = tpu.sem_alloc : memref<!tpu.dma_semaphore, #tpu.memory_space<semaphore_mem>>
      %dma_start3A_95 = tpu.memref_slice %arg3[%mul3A_2] : memref<32768xi32, #tpu.memory_space<hbm>> -> memref<1024xi32, #tpu.memory_space<hbm>>
      %dma_start3A_96 = tpu.memref_slice %arg3[%mul3A_2] : memref<32768xi32, #tpu.memory_space<hbm>> -> memref<1024xi32, #tpu.memory_space<hbm>>
      tpu.enqueue_dma source(%dma_start3A_96 : memref<1024xi32, #tpu.memory_space<hbm>>) target(%arg5 : memref<1024xi32, #tpu.memory_space<vmem>>) target_semaphore(%run_scoped3A : memref<!tpu.dma_semaphore, #tpu.memory_space<semaphore_mem>>)
      %dma_wait3A_97 = tpu.memref_slice %arg3[%mul3A_2] : memref<32768xi32, #tpu.memory_space<hbm>> -> memref<1024xi32, #tpu.memory_space<hbm>>
      %dma_wait3A_98 = tpu.memref_slice %arg3[%mul3A_2] : memref<32768xi32, #tpu.memory_space<hbm>> -> memref<1024xi32, #tpu.memory_space<hbm>>
      tpu.wait_dma2 semaphore(%run_scoped3A : memref<!tpu.dma_semaphore, #tpu.memory_space<semaphore_mem>>) src(%dma_wait3A_98 : memref<1024xi32, #tpu.memory_space<hbm>>) dst(%arg5 : memref<1024xi32, #tpu.memory_space<vmem>>)
      tpu.yield
    }) : () -> ()
    %dma_start3A = arith.constant 0 : i32
    %dma_start3A_3 = tpu.memref_slice %arg5[%dma_start3A] : memref<1024xi32, #tpu.memory_space<vmem>> -> memref<8xi32, #tpu.memory_space<vmem>>
    %dma_start3A_4 = arith.constant 0 : i32
    %dma_start3A_5 = arith.constant 0 : i32
    %dma_start3A_6 = tpu.memref_slice %arg2[%dma_start3A_4, %dma_start3A_5] : memref<8192x1024xf32, #tpu.memory_space<hbm>> -> memref<8192x1024xf32, #tpu.memory_space<hbm>>
    tpu.enqueue_indirect_dma source(%dma_start3A_6 : memref<8192x1024xf32, #tpu.memory_space<hbm>>) target(%arg6 : memref<8x1024xf32, #tpu.memory_space<vmem>>) offsets(%dma_start3A_3 : memref<8xi32, #tpu.memory_space<vmem>>) semaphore(%arg14 : memref<!tpu.dma_semaphore, #tpu.memory_space<semaphore_mem>>)
    %dma_start3A_7 = arith.constant 8 : i32
    %dma_start3A_8 = tpu.memref_slice %arg5[%dma_start3A_7] : memref<1024xi32, #tpu.memory_space<vmem>> -> memref<8xi32, #tpu.memory_space<vmem>>
    %dma_start3A_9 = arith.constant 0 : i32
    %dma_start3A_10 = arith.constant 0 : i32
    %dma_start3A_11 = tpu.memref_slice %arg2[%dma_start3A_9, %dma_start3A_10] : memref<8192x1024xf32, #tpu.memory_space<hbm>> -> memref<8192x1024xf32, #tpu.memory_space<hbm>>
    tpu.enqueue_indirect_dma source(%dma_start3A_11 : memref<8192x1024xf32, #tpu.memory_space<hbm>>) target(%arg7 : memref<8x1024xf32, #tpu.memory_space<vmem>>) offsets(%dma_start3A_8 : memref<8xi32, #tpu.memory_space<vmem>>) semaphore(%arg15 : memref<!tpu.dma_semaphore, #tpu.memory_space<semaphore_mem>>)
    %dma_start3A_12 = arith.constant 16 : i32
    %dma_start3A_13 = tpu.memref_slice %arg5[%dma_start3A_12] : memref<1024xi32, #tpu.memory_space<vmem>> -> memref<8xi32, #tpu.memory_space<vmem>>
    %dma_start3A_14 = arith.constant 0 : i32
    %dma_start3A_15 = arith.constant 0 : i32
    %dma_start3A_16 = tpu.memref_slice %arg2[%dma_start3A_14, %dma_start3A_15] : memref<8192x1024xf32, #tpu.memory_space<hbm>> -> memref<8192x1024xf32, #tpu.memory_space<hbm>>
    tpu.enqueue_indirect_dma source(%dma_start3A_16 : memref<8192x1024xf32, #tpu.memory_space<hbm>>) target(%arg8 : memref<8x1024xf32, #tpu.memory_space<vmem>>) offsets(%dma_start3A_13 : memref<8xi32, #tpu.memory_space<vmem>>) semaphore(%arg16 : memref<!tpu.dma_semaphore, #tpu.memory_space<semaphore_mem>>)
    %dma_start3A_17 = arith.constant 24 : i32
    %dma_start3A_18 = tpu.memref_slice %arg5[%dma_start3A_17] : memref<1024xi32, #tpu.memory_space<vmem>> -> memref<8xi32, #tpu.memory_space<vmem>>
    %dma_start3A_19 = arith.constant 0 : i32
    %dma_start3A_20 = arith.constant 0 : i32
    %dma_start3A_21 = tpu.memref_slice %arg2[%dma_start3A_19, %dma_start3A_20] : memref<8192x1024xf32, #tpu.memory_space<hbm>> -> memref<8192x1024xf32, #tpu.memory_space<hbm>>
    tpu.enqueue_indirect_dma source(%dma_start3A_21 : memref<8192x1024xf32, #tpu.memory_space<hbm>>) target(%arg9 : memref<8x1024xf32, #tpu.memory_space<vmem>>) offsets(%dma_start3A_18 : memref<8xi32, #tpu.memory_space<vmem>>) semaphore(%arg17 : memref<!tpu.dma_semaphore, #tpu.memory_space<semaphore_mem>>)
    %dma_start3A_22 = arith.constant 32 : i32
    %dma_start3A_23 = tpu.memref_slice %arg5[%dma_start3A_22] : memref<1024xi32, #tpu.memory_space<vmem>> -> memref<8xi32, #tpu.memory_space<vmem>>
    %dma_start3A_24 = arith.constant 0 : i32
    %dma_start3A_25 = arith.constant 0 : i32
    %dma_start3A_26 = tpu.memref_slice %arg2[%dma_start3A_24, %dma_start3A_25] : memref<8192x1024xf32, #tpu.memory_space<hbm>> -> memref<8192x1024xf32, #tpu.memory_space<hbm>>
    tpu.enqueue_indirect_dma source(%dma_start3A_26 : memref<8192x1024xf32, #tpu.memory_space<hbm>>) target(%arg10 : memref<8x1024xf32, #tpu.memory_space<vmem>>) offsets(%dma_start3A_23 : memref<8xi32, #tpu.memory_space<vmem>>) semaphore(%arg18 : memref<!tpu.dma_semaphore, #tpu.memory_space<semaphore_mem>>)
    %dma_start3A_27 = arith.constant 40 : i32
    %dma_start3A_28 = tpu.memref_slice %arg5[%dma_start3A_27] : memref<1024xi32, #tpu.memory_space<vmem>> -> memref<8xi32, #tpu.memory_space<vmem>>
    %dma_start3A_29 = arith.constant 0 : i32
    %dma_start3A_30 = arith.constant 0 : i32
    %dma_start3A_31 = tpu.memref_slice %arg2[%dma_start3A_29, %dma_start3A_30] : memref<8192x1024xf32, #tpu.memory_space<hbm>> -> memref<8192x1024xf32, #tpu.memory_space<hbm>>
    tpu.enqueue_indirect_dma source(%dma_start3A_31 : memref<8192x1024xf32, #tpu.memory_space<hbm>>) target(%arg11 : memref<8x1024xf32, #tpu.memory_space<vmem>>) offsets(%dma_start3A_28 : memref<8xi32, #tpu.memory_space<vmem>>) semaphore(%arg19 : memref<!tpu.dma_semaphore, #tpu.memory_space<semaphore_mem>>)
    %dma_start3A_32 = arith.constant 48 : i32
    %dma_start3A_33 = tpu.memref_slice %arg5[%dma_start3A_32] : memref<1024xi32, #tpu.memory_space<vmem>> -> memref<8xi32, #tpu.memory_space<vmem>>
    %dma_start3A_34 = arith.constant 0 : i32
    %dma_start3A_35 = arith.constant 0 : i32
    %dma_start3A_36 = tpu.memref_slice %arg2[%dma_start3A_34, %dma_start3A_35] : memref<8192x1024xf32, #tpu.memory_space<hbm>> -> memref<8192x1024xf32, #tpu.memory_space<hbm>>
    tpu.enqueue_indirect_dma source(%dma_start3A_36 : memref<8192x1024xf32, #tpu.memory_space<hbm>>) target(%arg12 : memref<8x1024xf32, #tpu.memory_space<vmem>>) offsets(%dma_start3A_33 : memref<8xi32, #tpu.memory_space<vmem>>) semaphore(%arg20 : memref<!tpu.dma_semaphore, #tpu.memory_space<semaphore_mem>>)
    %dma_start3A_37 = arith.constant 56 : i32
    %dma_start3A_38 = tpu.memref_slice %arg5[%dma_start3A_37] : memref<1024xi32, #tpu.memory_space<vmem>> -> memref<8xi32, #tpu.memory_space<vmem>>
    %dma_start3A_39 = arith.constant 0 : i32
    %dma_start3A_40 = arith.constant 0 : i32
    %dma_start3A_41 = tpu.memref_slice %arg2[%dma_start3A_39, %dma_start3A_40] : memref<8192x1024xf32, #tpu.memory_space<hbm>> -> memref<8192x1024xf32, #tpu.memory_space<hbm>>
    tpu.enqueue_indirect_dma source(%dma_start3A_41 : memref<8192x1024xf32, #tpu.memory_space<hbm>>) target(%arg13 : memref<8x1024xf32, #tpu.memory_space<vmem>>) offsets(%dma_start3A_38 : memref<8xi32, #tpu.memory_space<vmem>>) semaphore(%arg21 : memref<!tpu.dma_semaphore, #tpu.memory_space<semaphore_mem>>)
    %scan3A = arith.constant 0 : i32
    %scan3A_42 = arith.constant 0 : i32
    %scan3A_43 = arith.constant 16 : i32
    %scan3A_44 = arith.addi %scan3A_42, %scan3A_43 : i32
    %scan3A_45 = arith.constant 1 : i32
    %scan3A_46 = scf.for %scan3A_95 = %scan3A_42 to %scan3A_44 step %scan3A_45 iter_args(%scan3A_96 = %scan3A) -> (i32)  : i32 {
      %mul3A_97 = arith.constant 8 : i32
      %mul3A_98 = arith.muli %scan3A_95, %mul3A_97 : i32
      %add3A_99 = arith.constant 0 : i32
      %add3A_100 = arith.addi %mul3A_98, %add3A_99 : i32
      %mul3A_101 = arith.constant 8 : i32
      %mul3A_102 = arith.muli %add3A_100, %mul3A_101 : i32
      %dma_wait3A_103 = tpu.memref_slice %arg5[%mul3A_102] : memref<1024xi32, #tpu.memory_space<vmem>> -> memref<8xi32, #tpu.memory_space<vmem>>
      %dma_wait3A_104 = arith.constant 0 : i32
      %dma_wait3A_105 = arith.constant 0 : i32
      %dma_wait3A_106 = tpu.memref_slice %arg2[%dma_wait3A_104, %dma_wait3A_105] : memref<8192x1024xf32, #tpu.memory_space<hbm>> -> memref<8192x1024xf32, #tpu.memory_space<hbm>>
      tpu.wait_indirect_dma semaphore(%arg14 : memref<!tpu.dma_semaphore, #tpu.memory_space<semaphore_mem>>) src(%dma_wait3A_106 : memref<8192x1024xf32, #tpu.memory_space<hbm>>) dst(%arg6 : memref<8x1024xf32, #tpu.memory_space<vmem>>)
      %mul3A_107 = arith.constant 8 : i32
      %mul3A_108 = arith.muli %add3A_100, %mul3A_107 : i32
      %add3A_109 = arith.addi %mul3A_2, %mul3A_108 : i32
      %dma_start3A_110 = arith.constant 0 : i32
      %dma_start3A_111 = tpu.memref_slice %arg4[%add3A_109, %dma_start3A_110] : memref<32768x1024xf32, #tpu.memory_space<hbm>> -> memref<8x1024xf32, #tpu.memory_space<hbm>>
      %dma_start3A_112 = arith.constant 0 : i32
      %dma_start3A_113 = tpu.memref_slice %arg4[%add3A_109, %dma_start3A_112] : memref<32768x1024xf32, #tpu.memory_space<hbm>> -> memref<8x1024xf32, #tpu.memory_space<hbm>>
      tpu.enqueue_dma source(%arg6 : memref<8x1024xf32, #tpu.memory_space<vmem>>) target(%dma_start3A_113 : memref<8x1024xf32, #tpu.memory_space<hbm>>) target_semaphore(%arg22 : memref<!tpu.dma_semaphore, #tpu.memory_space<semaphore_mem>>)
      %add3A_114 = arith.constant 1 : i32
      %add3A_115 = arith.addi %mul3A_98, %add3A_114 : i32
      %mul3A_116 = arith.constant 8 : i32
      %mul3A_117 = arith.muli %add3A_115, %mul3A_116 : i32
      %dma_wait3A_118 = tpu.memref_slice %arg5[%mul3A_117] : memref<1024xi32, #tpu.memory_space<vmem>> -> memref<8xi32, #tpu.memory_space<vmem>>
      %dma_wait3A_119 = arith.constant 0 : i32
      %dma_wait3A_120 = arith.constant 0 : i32
      %dma_wait3A_121 = tpu.memref_slice %arg2[%dma_wait3A_119, %dma_wait3A_120] : memref<8192x1024xf32, #tpu.memory_space<hbm>> -> memref<8192x1024xf32, #tpu.memory_space<hbm>>
      tpu.wait_indirect_dma semaphore(%arg15 : memref<!tpu.dma_semaphore, #tpu.memory_space<semaphore_mem>>) src(%dma_wait3A_121 : memref<8192x1024xf32, #tpu.memory_space<hbm>>) dst(%arg7 : memref<8x1024xf32, #tpu.memory_space<vmem>>)
      %mul3A_122 = arith.constant 8 : i32
      %mul3A_123 = arith.muli %add3A_115, %mul3A_122 : i32
      %add3A_124 = arith.addi %mul3A_2, %mul3A_123 : i32
      %dma_start3A_125 = arith.constant 0 : i32
      %dma_start3A_126 = tpu.memref_slice %arg4[%add3A_124, %dma_start3A_125] : memref<32768x1024xf32, #tpu.memory_space<hbm>> -> memref<8x1024xf32, #tpu.memory_space<hbm>>
      %dma_start3A_127 = arith.constant 0 : i32
      %dma_start3A_128 = tpu.memref_slice %arg4[%add3A_124, %dma_start3A_127] : memref<32768x1024xf32, #tpu.memory_space<hbm>> -> memref<8x1024xf32, #tpu.memory_space<hbm>>
      tpu.enqueue_dma source(%arg7 : memref<8x1024xf32, #tpu.memory_space<vmem>>) target(%dma_start3A_128 : memref<8x1024xf32, #tpu.memory_space<hbm>>) target_semaphore(%arg23 : memref<!tpu.dma_semaphore, #tpu.memory_space<semaphore_mem>>)
      %add3A_129 = arith.constant 2 : i32
      %add3A_130 = arith.addi %mul3A_98, %add3A_129 : i32
      %mul3A_131 = arith.constant 8 : i32
      %mul3A_132 = arith.muli %add3A_130, %mul3A_131 : i32
      %dma_wait3A_133 = tpu.memref_slice %arg5[%mul3A_132] : memref<1024xi32, #tpu.memory_space<vmem>> -> memref<8xi32, #tpu.memory_space<vmem>>
      %dma_wait3A_134 = arith.constant 0 : i32
      %dma_wait3A_135 = arith.constant 0 : i32
      %dma_wait3A_136 = tpu.memref_slice %arg2[%dma_wait3A_134, %dma_wait3A_135] : memref<8192x1024xf32, #tpu.memory_space<hbm>> -> memref<8192x1024xf32, #tpu.memory_space<hbm>>
      tpu.wait_indirect_dma semaphore(%arg16 : memref<!tpu.dma_semaphore, #tpu.memory_space<semaphore_mem>>) src(%dma_wait3A_136 : memref<8192x1024xf32, #tpu.memory_space<hbm>>) dst(%arg8 : memref<8x1024xf32, #tpu.memory_space<vmem>>)
      %mul3A_137 = arith.constant 8 : i32
      %mul3A_138 = arith.muli %add3A_130, %mul3A_137 : i32
      %add3A_139 = arith.addi %mul3A_2, %mul3A_138 : i32
      %dma_start3A_140 = arith.constant 0 : i32
      %dma_start3A_141 = tpu.memref_slice %arg4[%add3A_139, %dma_start3A_140] : memref<32768x1024xf32, #tpu.memory_space<hbm>> -> memref<8x1024xf32, #tpu.memory_space<hbm>>
      %dma_start3A_142 = arith.constant 0 : i32
      %dma_start3A_143 = tpu.memref_slice %arg4[%add3A_139, %dma_start3A_142] : memref<32768x1024xf32, #tpu.memory_space<hbm>> -> memref<8x1024xf32, #tpu.memory_space<hbm>>
      tpu.enqueue_dma source(%arg8 : memref<8x1024xf32, #tpu.memory_space<vmem>>) target(%dma_start3A_143 : memref<8x1024xf32, #tpu.memory_space<hbm>>) target_semaphore(%arg24 : memref<!tpu.dma_semaphore, #tpu.memory_space<semaphore_mem>>)
      %add3A_144 = arith.constant 3 : i32
      %add3A_145 = arith.addi %mul3A_98, %add3A_144 : i32
      %mul3A_146 = arith.constant 8 : i32
      %mul3A_147 = arith.muli %add3A_145, %mul3A_146 : i32
      %dma_wait3A_148 = tpu.memref_slice %arg5[%mul3A_147] : memref<1024xi32, #tpu.memory_space<vmem>> -> memref<8xi32, #tpu.memory_space<vmem>>
      %dma_wait3A_149 = arith.constant 0 : i32
      %dma_wait3A_150 = arith.constant 0 : i32
      %dma_wait3A_151 = tpu.memref_slice %arg2[%dma_wait3A_149, %dma_wait3A_150] : memref<8192x1024xf32, #tpu.memory_space<hbm>> -> memref<8192x1024xf32, #tpu.memory_space<hbm>>
      tpu.wait_indirect_dma semaphore(%arg17 : memref<!tpu.dma_semaphore, #tpu.memory_space<semaphore_mem>>) src(%dma_wait3A_151 : memref<8192x1024xf32, #tpu.memory_space<hbm>>) dst(%arg9 : memref<8x1024xf32, #tpu.memory_space<vmem>>)
      %mul3A_152 = arith.constant 8 : i32
      %mul3A_153 = arith.muli %add3A_145, %mul3A_152 : i32
      %add3A_154 = arith.addi %mul3A_2, %mul3A_153 : i32
      %dma_start3A_155 = arith.constant 0 : i32
      %dma_start3A_156 = tpu.memref_slice %arg4[%add3A_154, %dma_start3A_155] : memref<32768x1024xf32, #tpu.memory_space<hbm>> -> memref<8x1024xf32, #tpu.memory_space<hbm>>
      %dma_start3A_157 = arith.constant 0 : i32
      %dma_start3A_158 = tpu.memref_slice %arg4[%add3A_154, %dma_start3A_157] : memref<32768x1024xf32, #tpu.memory_space<hbm>> -> memref<8x1024xf32, #tpu.memory_space<hbm>>
      tpu.enqueue_dma source(%arg9 : memref<8x1024xf32, #tpu.memory_space<vmem>>) target(%dma_start3A_158 : memref<8x1024xf32, #tpu.memory_space<hbm>>) target_semaphore(%arg25 : memref<!tpu.dma_semaphore, #tpu.memory_space<semaphore_mem>>)
      %add3A_159 = arith.constant 4 : i32
      %add3A_160 = arith.addi %mul3A_98, %add3A_159 : i32
      %mul3A_161 = arith.constant 8 : i32
      %mul3A_162 = arith.muli %add3A_160, %mul3A_161 : i32
      %dma_wait3A_163 = tpu.memref_slice %arg5[%mul3A_162] : memref<1024xi32, #tpu.memory_space<vmem>> -> memref<8xi32, #tpu.memory_space<vmem>>
      %dma_wait3A_164 = arith.constant 0 : i32
      %dma_wait3A_165 = arith.constant 0 : i32
      %dma_wait3A_166 = tpu.memref_slice %arg2[%dma_wait3A_164, %dma_wait3A_165] : memref<8192x1024xf32, #tpu.memory_space<hbm>> -> memref<8192x1024xf32, #tpu.memory_space<hbm>>
      tpu.wait_indirect_dma semaphore(%arg18 : memref<!tpu.dma_semaphore, #tpu.memory_space<semaphore_mem>>) src(%dma_wait3A_166 : memref<8192x1024xf32, #tpu.memory_space<hbm>>) dst(%arg10 : memref<8x1024xf32, #tpu.memory_space<vmem>>)
      %mul3A_167 = arith.constant 8 : i32
      %mul3A_168 = arith.muli %add3A_160, %mul3A_167 : i32
      %add3A_169 = arith.addi %mul3A_2, %mul3A_168 : i32
      %dma_start3A_170 = arith.constant 0 : i32
      %dma_start3A_171 = tpu.memref_slice %arg4[%add3A_169, %dma_start3A_170] : memref<32768x1024xf32, #tpu.memory_space<hbm>> -> memref<8x1024xf32, #tpu.memory_space<hbm>>
      %dma_start3A_172 = arith.constant 0 : i32
      %dma_start3A_173 = tpu.memref_slice %arg4[%add3A_169, %dma_start3A_172] : memref<32768x1024xf32, #tpu.memory_space<hbm>> -> memref<8x1024xf32, #tpu.memory_space<hbm>>
      tpu.enqueue_dma source(%arg10 : memref<8x1024xf32, #tpu.memory_space<vmem>>) target(%dma_start3A_173 : memref<8x1024xf32, #tpu.memory_space<hbm>>) target_semaphore(%arg26 : memref<!tpu.dma_semaphore, #tpu.memory_space<semaphore_mem>>)
      %add3A_174 = arith.constant 5 : i32
      %add3A_175 = arith.addi %mul3A_98, %add3A_174 : i32
      %mul3A_176 = arith.constant 8 : i32
      %mul3A_177 = arith.muli %add3A_175, %mul3A_176 : i32
      %dma_wait3A_178 = tpu.memref_slice %arg5[%mul3A_177] : memref<1024xi32, #tpu.memory_space<vmem>> -> memref<8xi32, #tpu.memory_space<vmem>>
      %dma_wait3A_179 = arith.constant 0 : i32
      %dma_wait3A_180 = arith.constant 0 : i32
      %dma_wait3A_181 = tpu.memref_slice %arg2[%dma_wait3A_179, %dma_wait3A_180] : memref<8192x1024xf32, #tpu.memory_space<hbm>> -> memref<8192x1024xf32, #tpu.memory_space<hbm>>
      tpu.wait_indirect_dma semaphore(%arg19 : memref<!tpu.dma_semaphore, #tpu.memory_space<semaphore_mem>>) src(%dma_wait3A_181 : memref<8192x1024xf32, #tpu.memory_space<hbm>>) dst(%arg11 : memref<8x1024xf32, #tpu.memory_space<vmem>>)
      %mul3A_182 = arith.constant 8 : i32
      %mul3A_183 = arith.muli %add3A_175, %mul3A_182 : i32
      %add3A_184 = arith.addi %mul3A_2, %mul3A_183 : i32
      %dma_start3A_185 = arith.constant 0 : i32
      %dma_start3A_186 = tpu.memref_slice %arg4[%add3A_184, %dma_start3A_185] : memref<32768x1024xf32, #tpu.memory_space<hbm>> -> memref<8x1024xf32, #tpu.memory_space<hbm>>
      %dma_start3A_187 = arith.constant 0 : i32
      %dma_start3A_188 = tpu.memref_slice %arg4[%add3A_184, %dma_start3A_187] : memref<32768x1024xf32, #tpu.memory_space<hbm>> -> memref<8x1024xf32, #tpu.memory_space<hbm>>
      tpu.enqueue_dma source(%arg11 : memref<8x1024xf32, #tpu.memory_space<vmem>>) target(%dma_start3A_188 : memref<8x1024xf32, #tpu.memory_space<hbm>>) target_semaphore(%arg27 : memref<!tpu.dma_semaphore, #tpu.memory_space<semaphore_mem>>)
      %add3A_189 = arith.constant 6 : i32
      %add3A_190 = arith.addi %mul3A_98, %add3A_189 : i32
      %mul3A_191 = arith.constant 8 : i32
      %mul3A_192 = arith.muli %add3A_190, %mul3A_191 : i32
      %dma_wait3A_193 = tpu.memref_slice %arg5[%mul3A_192] : memref<1024xi32, #tpu.memory_space<vmem>> -> memref<8xi32, #tpu.memory_space<vmem>>
      %dma_wait3A_194 = arith.constant 0 : i32
      %dma_wait3A_195 = arith.constant 0 : i32
      %dma_wait3A_196 = tpu.memref_slice %arg2[%dma_wait3A_194, %dma_wait3A_195] : memref<8192x1024xf32, #tpu.memory_space<hbm>> -> memref<8192x1024xf32, #tpu.memory_space<hbm>>
      tpu.wait_indirect_dma semaphore(%arg20 : memref<!tpu.dma_semaphore, #tpu.memory_space<semaphore_mem>>) src(%dma_wait3A_196 : memref<8192x1024xf32, #tpu.memory_space<hbm>>) dst(%arg12 : memref<8x1024xf32, #tpu.memory_space<vmem>>)
      %mul3A_197 = arith.constant 8 : i32
      %mul3A_198 = arith.muli %add3A_190, %mul3A_197 : i32
      %add3A_199 = arith.addi %mul3A_2, %mul3A_198 : i32
      %dma_start3A_200 = arith.constant 0 : i32
      %dma_start3A_201 = tpu.memref_slice %arg4[%add3A_199, %dma_start3A_200] : memref<32768x1024xf32, #tpu.memory_space<hbm>> -> memref<8x1024xf32, #tpu.memory_space<hbm>>
      %dma_start3A_202 = arith.constant 0 : i32
      %dma_start3A_203 = tpu.memref_slice %arg4[%add3A_199, %dma_start3A_202] : memref<32768x1024xf32, #tpu.memory_space<hbm>> -> memref<8x1024xf32, #tpu.memory_space<hbm>>
      tpu.enqueue_dma source(%arg12 : memref<8x1024xf32, #tpu.memory_space<vmem>>) target(%dma_start3A_203 : memref<8x1024xf32, #tpu.memory_space<hbm>>) target_semaphore(%arg28 : memref<!tpu.dma_semaphore, #tpu.memory_space<semaphore_mem>>)
      %add3A_204 = arith.constant 7 : i32
      %add3A_205 = arith.addi %mul3A_98, %add3A_204 : i32
      %mul3A_206 = arith.constant 8 : i32
      %mul3A_207 = arith.muli %add3A_205, %mul3A_206 : i32
      %dma_wait3A_208 = tpu.memref_slice %arg5[%mul3A_207] : memref<1024xi32, #tpu.memory_space<vmem>> -> memref<8xi32, #tpu.memory_space<vmem>>
      %dma_wait3A_209 = arith.constant 0 : i32
      %dma_wait3A_210 = arith.constant 0 : i32
      %dma_wait3A_211 = tpu.memref_slice %arg2[%dma_wait3A_209, %dma_wait3A_210] : memref<8192x1024xf32, #tpu.memory_space<hbm>> -> memref<8192x1024xf32, #tpu.memory_space<hbm>>
      tpu.wait_indirect_dma semaphore(%arg21 : memref<!tpu.dma_semaphore, #tpu.memory_space<semaphore_mem>>) src(%dma_wait3A_211 : memref<8192x1024xf32, #tpu.memory_space<hbm>>) dst(%arg13 : memref<8x1024xf32, #tpu.memory_space<vmem>>)
      %mul3A_212 = arith.constant 8 : i32
      %mul3A_213 = arith.muli %add3A_205, %mul3A_212 : i32
      %add3A_214 = arith.addi %mul3A_2, %mul3A_213 : i32
      %dma_start3A_215 = arith.constant 0 : i32
      %dma_start3A_216 = tpu.memref_slice %arg4[%add3A_214, %dma_start3A_215] : memref<32768x1024xf32, #tpu.memory_space<hbm>> -> memref<8x1024xf32, #tpu.memory_space<hbm>>
      %dma_start3A_217 = arith.constant 0 : i32
      %dma_start3A_218 = tpu.memref_slice %arg4[%add3A_214, %dma_start3A_217] : memref<32768x1024xf32, #tpu.memory_space<hbm>> -> memref<8x1024xf32, #tpu.memory_space<hbm>>
      tpu.enqueue_dma source(%arg13 : memref<8x1024xf32, #tpu.memory_space<vmem>>) target(%dma_start3A_218 : memref<8x1024xf32, #tpu.memory_space<hbm>>) target_semaphore(%arg29 : memref<!tpu.dma_semaphore, #tpu.memory_space<semaphore_mem>>)
      %add3A_219 = arith.constant 1 : i32
      %add3A_220 = arith.addi %scan3A_95, %add3A_219 : i32
      %lt3A = arith.constant 16 : i32
      %lt3A_221 = arith.cmpi slt, %add3A_220, %lt3A : i32
      %convert_element_type3A = arith.extui %lt3A_221 : i1 to i32
      %cond3A = arith.constant 0 : i32
      %cond3A_222 = arith.cmpi ne, %convert_element_type3A, %cond3A : i32
      scf.if %cond3A_222 {
        %add3A_224 = arith.constant 0 : i32
        %add3A_225 = arith.addi %mul3A_98, %add3A_224 : i32
        %mul3A_226 = arith.constant 8 : i32
        %mul3A_227 = arith.muli %add3A_225, %mul3A_226 : i32
        %add3A_228 = arith.addi %mul3A_2, %mul3A_227 : i32
        %dma_wait3A_229 = arith.constant 0 : i32
        %dma_wait3A_230 = tpu.memref_slice %arg4[%add3A_228, %dma_wait3A_229] : memref<32768x1024xf32, #tpu.memory_space<hbm>> -> memref<8x1024xf32, #tpu.memory_space<hbm>>
        %dma_wait3A_231 = arith.constant 0 : i32
        %dma_wait3A_232 = tpu.memref_slice %arg4[%add3A_228, %dma_wait3A_231] : memref<32768x1024xf32, #tpu.memory_space<hbm>> -> memref<8x1024xf32, #tpu.memory_space<hbm>>
        tpu.wait_dma2 semaphore(%arg22 : memref<!tpu.dma_semaphore, #tpu.memory_space<semaphore_mem>>) src(%arg6 : memref<8x1024xf32, #tpu.memory_space<vmem>>) dst(%dma_wait3A_232 : memref<8x1024xf32, #tpu.memory_space<hbm>>)
        %add3A_233 = arith.constant 8 : i32
        %add3A_234 = arith.addi %add3A_225, %add3A_233 : i32
        %mul3A_235 = arith.constant 8 : i32
        %mul3A_236 = arith.muli %add3A_234, %mul3A_235 : i32
        %dma_start3A_237 = tpu.memref_slice %arg5[%mul3A_236] : memref<1024xi32, #tpu.memory_space<vmem>> -> memref<8xi32, #tpu.memory_space<vmem>>
        %dma_start3A_238 = arith.constant 0 : i32
        %dma_start3A_239 = arith.constant 0 : i32
        %dma_start3A_240 = tpu.memref_slice %arg2[%dma_start3A_238, %dma_start3A_239] : memref<8192x1024xf32, #tpu.memory_space<hbm>> -> memref<8192x1024xf32, #tpu.memory_space<hbm>>
        tpu.enqueue_indirect_dma source(%dma_start3A_240 : memref<8192x1024xf32, #tpu.memory_space<hbm>>) target(%arg6 : memref<8x1024xf32, #tpu.memory_space<vmem>>) offsets(%dma_start3A_237 : memref<8xi32, #tpu.memory_space<vmem>>) semaphore(%arg14 : memref<!tpu.dma_semaphore, #tpu.memory_space<semaphore_mem>>)
        %add3A_241 = arith.constant 1 : i32
        %add3A_242 = arith.addi %mul3A_98, %add3A_241 : i32
        %mul3A_243 = arith.constant 8 : i32
        %mul3A_244 = arith.muli %add3A_242, %mul3A_243 : i32
        %add3A_245 = arith.addi %mul3A_2, %mul3A_244 : i32
        %dma_wait3A_246 = arith.constant 0 : i32
        %dma_wait3A_247 = tpu.memref_slice %arg4[%add3A_245, %dma_wait3A_246] : memref<32768x1024xf32, #tpu.memory_space<hbm>> -> memref<8x1024xf32, #tpu.memory_space<hbm>>
        %dma_wait3A_248 = arith.constant 0 : i32
        %dma_wait3A_249 = tpu.memref_slice %arg4[%add3A_245, %dma_wait3A_248] : memref<32768x1024xf32, #tpu.memory_space<hbm>> -> memref<8x1024xf32, #tpu.memory_space<hbm>>
        tpu.wait_dma2 semaphore(%arg23 : memref<!tpu.dma_semaphore, #tpu.memory_space<semaphore_mem>>) src(%arg7 : memref<8x1024xf32, #tpu.memory_space<vmem>>) dst(%dma_wait3A_249 : memref<8x1024xf32, #tpu.memory_space<hbm>>)
        %add3A_250 = arith.constant 8 : i32
        %add3A_251 = arith.addi %add3A_242, %add3A_250 : i32
        %mul3A_252 = arith.constant 8 : i32
        %mul3A_253 = arith.muli %add3A_251, %mul3A_252 : i32
        %dma_start3A_254 = tpu.memref_slice %arg5[%mul3A_253] : memref<1024xi32, #tpu.memory_space<vmem>> -> memref<8xi32, #tpu.memory_space<vmem>>
        %dma_start3A_255 = arith.constant 0 : i32
        %dma_start3A_256 = arith.constant 0 : i32
        %dma_start3A_257 = tpu.memref_slice %arg2[%dma_start3A_255, %dma_start3A_256] : memref<8192x1024xf32, #tpu.memory_space<hbm>> -> memref<8192x1024xf32, #tpu.memory_space<hbm>>
        tpu.enqueue_indirect_dma source(%dma_start3A_257 : memref<8192x1024xf32, #tpu.memory_space<hbm>>) target(%arg7 : memref<8x1024xf32, #tpu.memory_space<vmem>>) offsets(%dma_start3A_254 : memref<8xi32, #tpu.memory_space<vmem>>) semaphore(%arg15 : memref<!tpu.dma_semaphore, #tpu.memory_space<semaphore_mem>>)
        %add3A_258 = arith.constant 2 : i32
        %add3A_259 = arith.addi %mul3A_98, %add3A_258 : i32
        %mul3A_260 = arith.constant 8 : i32
        %mul3A_261 = arith.muli %add3A_259, %mul3A_260 : i32
        %add3A_262 = arith.addi %mul3A_2, %mul3A_261 : i32
        %dma_wait3A_263 = arith.constant 0 : i32
        %dma_wait3A_264 = tpu.memref_slice %arg4[%add3A_262, %dma_wait3A_263] : memref<32768x1024xf32, #tpu.memory_space<hbm>> -> memref<8x1024xf32, #tpu.memory_space<hbm>>
        %dma_wait3A_265 = arith.constant 0 : i32
        %dma_wait3A_266 = tpu.memref_slice %arg4[%add3A_262, %dma_wait3A_265] : memref<32768x1024xf32, #tpu.memory_space<hbm>> -> memref<8x1024xf32, #tpu.memory_space<hbm>>
        tpu.wait_dma2 semaphore(%arg24 : memref<!tpu.dma_semaphore, #tpu.memory_space<semaphore_mem>>) src(%arg8 : memref<8x1024xf32, #tpu.memory_space<vmem>>) dst(%dma_wait3A_266 : memref<8x1024xf32, #tpu.memory_space<hbm>>)
        %add3A_267 = arith.constant 8 : i32
        %add3A_268 = arith.addi %add3A_259, %add3A_267 : i32
        %mul3A_269 = arith.constant 8 : i32
        %mul3A_270 = arith.muli %add3A_268, %mul3A_269 : i32
        %dma_start3A_271 = tpu.memref_slice %arg5[%mul3A_270] : memref<1024xi32, #tpu.memory_space<vmem>> -> memref<8xi32, #tpu.memory_space<vmem>>
        %dma_start3A_272 = arith.constant 0 : i32
        %dma_start3A_273 = arith.constant 0 : i32
        %dma_start3A_274 = tpu.memref_slice %arg2[%dma_start3A_272, %dma_start3A_273] : memref<8192x1024xf32, #tpu.memory_space<hbm>> -> memref<8192x1024xf32, #tpu.memory_space<hbm>>
        tpu.enqueue_indirect_dma source(%dma_start3A_274 : memref<8192x1024xf32, #tpu.memory_space<hbm>>) target(%arg8 : memref<8x1024xf32, #tpu.memory_space<vmem>>) offsets(%dma_start3A_271 : memref<8xi32, #tpu.memory_space<vmem>>) semaphore(%arg16 : memref<!tpu.dma_semaphore, #tpu.memory_space<semaphore_mem>>)
        %add3A_275 = arith.constant 3 : i32
        %add3A_276 = arith.addi %mul3A_98, %add3A_275 : i32
        %mul3A_277 = arith.constant 8 : i32
        %mul3A_278 = arith.muli %add3A_276, %mul3A_277 : i32
        %add3A_279 = arith.addi %mul3A_2, %mul3A_278 : i32
        %dma_wait3A_280 = arith.constant 0 : i32
        %dma_wait3A_281 = tpu.memref_slice %arg4[%add3A_279, %dma_wait3A_280] : memref<32768x1024xf32, #tpu.memory_space<hbm>> -> memref<8x1024xf32, #tpu.memory_space<hbm>>
        %dma_wait3A_282 = arith.constant 0 : i32
        %dma_wait3A_283 = tpu.memref_slice %arg4[%add3A_279, %dma_wait3A_282] : memref<32768x1024xf32, #tpu.memory_space<hbm>> -> memref<8x1024xf32, #tpu.memory_space<hbm>>
        tpu.wait_dma2 semaphore(%arg25 : memref<!tpu.dma_semaphore, #tpu.memory_space<semaphore_mem>>) src(%arg9 : memref<8x1024xf32, #tpu.memory_space<vmem>>) dst(%dma_wait3A_283 : memref<8x1024xf32, #tpu.memory_space<hbm>>)
        %add3A_284 = arith.constant 8 : i32
        %add3A_285 = arith.addi %add3A_276, %add3A_284 : i32
        %mul3A_286 = arith.constant 8 : i32
        %mul3A_287 = arith.muli %add3A_285, %mul3A_286 : i32
        %dma_start3A_288 = tpu.memref_slice %arg5[%mul3A_287] : memref<1024xi32, #tpu.memory_space<vmem>> -> memref<8xi32, #tpu.memory_space<vmem>>
        %dma_start3A_289 = arith.constant 0 : i32
        %dma_start3A_290 = arith.constant 0 : i32
        %dma_start3A_291 = tpu.memref_slice %arg2[%dma_start3A_289, %dma_start3A_290] : memref<8192x1024xf32, #tpu.memory_space<hbm>> -> memref<8192x1024xf32, #tpu.memory_space<hbm>>
        tpu.enqueue_indirect_dma source(%dma_start3A_291 : memref<8192x1024xf32, #tpu.memory_space<hbm>>) target(%arg9 : memref<8x1024xf32, #tpu.memory_space<vmem>>) offsets(%dma_start3A_288 : memref<8xi32, #tpu.memory_space<vmem>>) semaphore(%arg17 : memref<!tpu.dma_semaphore, #tpu.memory_space<semaphore_mem>>)
        %add3A_292 = arith.constant 4 : i32
        %add3A_293 = arith.addi %mul3A_98, %add3A_292 : i32
        %mul3A_294 = arith.constant 8 : i32
        %mul3A_295 = arith.muli %add3A_293, %mul3A_294 : i32
        %add3A_296 = arith.addi %mul3A_2, %mul3A_295 : i32
        %dma_wait3A_297 = arith.constant 0 : i32
        %dma_wait3A_298 = tpu.memref_slice %arg4[%add3A_296, %dma_wait3A_297] : memref<32768x1024xf32, #tpu.memory_space<hbm>> -> memref<8x1024xf32, #tpu.memory_space<hbm>>
        %dma_wait3A_299 = arith.constant 0 : i32
        %dma_wait3A_300 = tpu.memref_slice %arg4[%add3A_296, %dma_wait3A_299] : memref<32768x1024xf32, #tpu.memory_space<hbm>> -> memref<8x1024xf32, #tpu.memory_space<hbm>>
        tpu.wait_dma2 semaphore(%arg26 : memref<!tpu.dma_semaphore, #tpu.memory_space<semaphore_mem>>) src(%arg10 : memref<8x1024xf32, #tpu.memory_space<vmem>>) dst(%dma_wait3A_300 : memref<8x1024xf32, #tpu.memory_space<hbm>>)
        %add3A_301 = arith.constant 8 : i32
        %add3A_302 = arith.addi %add3A_293, %add3A_301 : i32
        %mul3A_303 = arith.constant 8 : i32
        %mul3A_304 = arith.muli %add3A_302, %mul3A_303 : i32
        %dma_start3A_305 = tpu.memref_slice %arg5[%mul3A_304] : memref<1024xi32, #tpu.memory_space<vmem>> -> memref<8xi32, #tpu.memory_space<vmem>>
        %dma_start3A_306 = arith.constant 0 : i32
        %dma_start3A_307 = arith.constant 0 : i32
        %dma_start3A_308 = tpu.memref_slice %arg2[%dma_start3A_306, %dma_start3A_307] : memref<8192x1024xf32, #tpu.memory_space<hbm>> -> memref<8192x1024xf32, #tpu.memory_space<hbm>>
        tpu.enqueue_indirect_dma source(%dma_start3A_308 : memref<8192x1024xf32, #tpu.memory_space<hbm>>) target(%arg10 : memref<8x1024xf32, #tpu.memory_space<vmem>>) offsets(%dma_start3A_305 : memref<8xi32, #tpu.memory_space<vmem>>) semaphore(%arg18 : memref<!tpu.dma_semaphore, #tpu.memory_space<semaphore_mem>>)
        %add3A_309 = arith.constant 5 : i32
        %add3A_310 = arith.addi %mul3A_98, %add3A_309 : i32
        %mul3A_311 = arith.constant 8 : i32
        %mul3A_312 = arith.muli %add3A_310, %mul3A_311 : i32
        %add3A_313 = arith.addi %mul3A_2, %mul3A_312 : i32
        %dma_wait3A_314 = arith.constant 0 : i32
        %dma_wait3A_315 = tpu.memref_slice %arg4[%add3A_313, %dma_wait3A_314] : memref<32768x1024xf32, #tpu.memory_space<hbm>> -> memref<8x1024xf32, #tpu.memory_space<hbm>>
        %dma_wait3A_316 = arith.constant 0 : i32
        %dma_wait3A_317 = tpu.memref_slice %arg4[%add3A_313, %dma_wait3A_316] : memref<32768x1024xf32, #tpu.memory_space<hbm>> -> memref<8x1024xf32, #tpu.memory_space<hbm>>
        tpu.wait_dma2 semaphore(%arg27 : memref<!tpu.dma_semaphore, #tpu.memory_space<semaphore_mem>>) src(%arg11 : memref<8x1024xf32, #tpu.memory_space<vmem>>) dst(%dma_wait3A_317 : memref<8x1024xf32, #tpu.memory_space<hbm>>)
        %add3A_318 = arith.constant 8 : i32
        %add3A_319 = arith.addi %add3A_310, %add3A_318 : i32
        %mul3A_320 = arith.constant 8 : i32
        %mul3A_321 = arith.muli %add3A_319, %mul3A_320 : i32
        %dma_start3A_322 = tpu.memref_slice %arg5[%mul3A_321] : memref<1024xi32, #tpu.memory_space<vmem>> -> memref<8xi32, #tpu.memory_space<vmem>>
        %dma_start3A_323 = arith.constant 0 : i32
        %dma_start3A_324 = arith.constant 0 : i32
        %dma_start3A_325 = tpu.memref_slice %arg2[%dma_start3A_323, %dma_start3A_324] : memref<8192x1024xf32, #tpu.memory_space<hbm>> -> memref<8192x1024xf32, #tpu.memory_space<hbm>>
        tpu.enqueue_indirect_dma source(%dma_start3A_325 : memref<8192x1024xf32, #tpu.memory_space<hbm>>) target(%arg11 : memref<8x1024xf32, #tpu.memory_space<vmem>>) offsets(%dma_start3A_322 : memref<8xi32, #tpu.memory_space<vmem>>) semaphore(%arg19 : memref<!tpu.dma_semaphore, #tpu.memory_space<semaphore_mem>>)
        %add3A_326 = arith.constant 6 : i32
        %add3A_327 = arith.addi %mul3A_98, %add3A_326 : i32
        %mul3A_328 = arith.constant 8 : i32
        %mul3A_329 = arith.muli %add3A_327, %mul3A_328 : i32
        %add3A_330 = arith.addi %mul3A_2, %mul3A_329 : i32
        %dma_wait3A_331 = arith.constant 0 : i32
        %dma_wait3A_332 = tpu.memref_slice %arg4[%add3A_330, %dma_wait3A_331] : memref<32768x1024xf32, #tpu.memory_space<hbm>> -> memref<8x1024xf32, #tpu.memory_space<hbm>>
        %dma_wait3A_333 = arith.constant 0 : i32
        %dma_wait3A_334 = tpu.memref_slice %arg4[%add3A_330, %dma_wait3A_333] : memref<32768x1024xf32, #tpu.memory_space<hbm>> -> memref<8x1024xf32, #tpu.memory_space<hbm>>
        tpu.wait_dma2 semaphore(%arg28 : memref<!tpu.dma_semaphore, #tpu.memory_space<semaphore_mem>>) src(%arg12 : memref<8x1024xf32, #tpu.memory_space<vmem>>) dst(%dma_wait3A_334 : memref<8x1024xf32, #tpu.memory_space<hbm>>)
        %add3A_335 = arith.constant 8 : i32
        %add3A_336 = arith.addi %add3A_327, %add3A_335 : i32
        %mul3A_337 = arith.constant 8 : i32
        %mul3A_338 = arith.muli %add3A_336, %mul3A_337 : i32
        %dma_start3A_339 = tpu.memref_slice %arg5[%mul3A_338] : memref<1024xi32, #tpu.memory_space<vmem>> -> memref<8xi32, #tpu.memory_space<vmem>>
        %dma_start3A_340 = arith.constant 0 : i32
        %dma_start3A_341 = arith.constant 0 : i32
        %dma_start3A_342 = tpu.memref_slice %arg2[%dma_start3A_340, %dma_start3A_341] : memref<8192x1024xf32, #tpu.memory_space<hbm>> -> memref<8192x1024xf32, #tpu.memory_space<hbm>>
        tpu.enqueue_indirect_dma source(%dma_start3A_342 : memref<8192x1024xf32, #tpu.memory_space<hbm>>) target(%arg12 : memref<8x1024xf32, #tpu.memory_space<vmem>>) offsets(%dma_start3A_339 : memref<8xi32, #tpu.memory_space<vmem>>) semaphore(%arg20 : memref<!tpu.dma_semaphore, #tpu.memory_space<semaphore_mem>>)
        %add3A_343 = arith.constant 7 : i32
        %add3A_344 = arith.addi %mul3A_98, %add3A_343 : i32
        %mul3A_345 = arith.constant 8 : i32
        %mul3A_346 = arith.muli %add3A_344, %mul3A_345 : i32
        %add3A_347 = arith.addi %mul3A_2, %mul3A_346 : i32
        %dma_wait3A_348 = arith.constant 0 : i32
        %dma_wait3A_349 = tpu.memref_slice %arg4[%add3A_347, %dma_wait3A_348] : memref<32768x1024xf32, #tpu.memory_space<hbm>> -> memref<8x1024xf32, #tpu.memory_space<hbm>>
        %dma_wait3A_350 = arith.constant 0 : i32
        %dma_wait3A_351 = tpu.memref_slice %arg4[%add3A_347, %dma_wait3A_350] : memref<32768x1024xf32, #tpu.memory_space<hbm>> -> memref<8x1024xf32, #tpu.memory_space<hbm>>
        tpu.wait_dma2 semaphore(%arg29 : memref<!tpu.dma_semaphore, #tpu.memory_space<semaphore_mem>>) src(%arg13 : memref<8x1024xf32, #tpu.memory_space<vmem>>) dst(%dma_wait3A_351 : memref<8x1024xf32, #tpu.memory_space<hbm>>)
        %add3A_352 = arith.constant 8 : i32
        %add3A_353 = arith.addi %add3A_344, %add3A_352 : i32
        %mul3A_354 = arith.constant 8 : i32
        %mul3A_355 = arith.muli %add3A_353, %mul3A_354 : i32
        %dma_start3A_356 = tpu.memref_slice %arg5[%mul3A_355] : memref<1024xi32, #tpu.memory_space<vmem>> -> memref<8xi32, #tpu.memory_space<vmem>>
        %dma_start3A_357 = arith.constant 0 : i32
        %dma_start3A_358 = arith.constant 0 : i32
        %dma_start3A_359 = tpu.memref_slice %arg2[%dma_start3A_357, %dma_start3A_358] : memref<8192x1024xf32, #tpu.memory_space<hbm>> -> memref<8192x1024xf32, #tpu.memory_space<hbm>>
        tpu.enqueue_indirect_dma source(%dma_start3A_359 : memref<8192x1024xf32, #tpu.memory_space<hbm>>) target(%arg13 : memref<8x1024xf32, #tpu.memory_space<vmem>>) offsets(%dma_start3A_356 : memref<8xi32, #tpu.memory_space<vmem>>) semaphore(%arg21 : memref<!tpu.dma_semaphore, #tpu.memory_space<semaphore_mem>>)
      } else {
      }
      %scan3A_223 = arith.constant 0 : i32
      scf.yield %scan3A_223 : i32
    }
    %scan3A_47 = arith.constant 16 : i32
    %add3A_48 = arith.constant 960 : i32
    %add3A_49 = arith.addi %mul3A_2, %add3A_48 : i32
    %dma_wait3A = arith.constant 0 : i32
    %dma_wait3A_50 = tpu.memref_slice %arg4[%add3A_49, %dma_wait3A] : memref<32768x1024xf32, #tpu.memory_space<hbm>> -> memref<8x1024xf32, #tpu.memory_space<hbm>>
    %dma_wait3A_51 = arith.constant 0 : i32
    %dma_wait3A_52 = tpu.memref_slice %arg4[%add3A_49, %dma_wait3A_51] : memref<32768x1024xf32, #tpu.memory_space<hbm>> -> memref<8x1024xf32, #tpu.memory_space<hbm>>
    tpu.wait_dma2 semaphore(%arg22 : memref<!tpu.dma_semaphore, #tpu.memory_space<semaphore_mem>>) src(%arg6 : memref<8x1024xf32, #tpu.memory_space<vmem>>) dst(%dma_wait3A_52 : memref<8x1024xf32, #tpu.memory_space<hbm>>)
    %add3A_53 = arith.constant 968 : i32
    %add3A_54 = arith.addi %mul3A_2, %add3A_53 : i32
    %dma_wait3A_55 = arith.constant 0 : i32
    %dma_wait3A_56 = tpu.memref_slice %arg4[%add3A_54, %dma_wait3A_55] : memref<32768x1024xf32, #tpu.memory_space<hbm>> -> memref<8x1024xf32, #tpu.memory_space<hbm>>
    %dma_wait3A_57 = arith.constant 0 : i32
    %dma_wait3A_58 = tpu.memref_slice %arg4[%add3A_54, %dma_wait3A_57] : memref<32768x1024xf32, #tpu.memory_space<hbm>> -> memref<8x1024xf32, #tpu.memory_space<hbm>>
    tpu.wait_dma2 semaphore(%arg23 : memref<!tpu.dma_semaphore, #tpu.memory_space<semaphore_mem>>) src(%arg7 : memref<8x1024xf32, #tpu.memory_space<vmem>>) dst(%dma_wait3A_58 : memref<8x1024xf32, #tpu.memory_space<hbm>>)
    %add3A_59 = arith.constant 976 : i32
    %add3A_60 = arith.addi %mul3A_2, %add3A_59 : i32
    %dma_wait3A_61 = arith.constant 0 : i32
    %dma_wait3A_62 = tpu.memref_slice %arg4[%add3A_60, %dma_wait3A_61] : memref<32768x1024xf32, #tpu.memory_space<hbm>> -> memref<8x1024xf32, #tpu.memory_space<hbm>>
    %dma_wait3A_63 = arith.constant 0 : i32
    %dma_wait3A_64 = tpu.memref_slice %arg4[%add3A_60, %dma_wait3A_63] : memref<32768x1024xf32, #tpu.memory_space<hbm>> -> memref<8x1024xf32, #tpu.memory_space<hbm>>
    tpu.wait_dma2 semaphore(%arg24 : memref<!tpu.dma_semaphore, #tpu.memory_space<semaphore_mem>>) src(%arg8 : memref<8x1024xf32, #tpu.memory_space<vmem>>) dst(%dma_wait3A_64 : memref<8x1024xf32, #tpu.memory_space<hbm>>)
    %add3A_65 = arith.constant 984 : i32
    %add3A_66 = arith.addi %mul3A_2, %add3A_65 : i32
    %dma_wait3A_67 = arith.constant 0 : i32
    %dma_wait3A_68 = tpu.memref_slice %arg4[%add3A_66, %dma_wait3A_67] : memref<32768x1024xf32, #tpu.memory_space<hbm>> -> memref<8x1024xf32, #tpu.memory_space<hbm>>
    %dma_wait3A_69 = arith.constant 0 : i32
    %dma_wait3A_70 = tpu.memref_slice %arg4[%add3A_66, %dma_wait3A_69] : memref<32768x1024xf32, #tpu.memory_space<hbm>> -> memref<8x1024xf32, #tpu.memory_space<hbm>>
    tpu.wait_dma2 semaphore(%arg25 : memref<!tpu.dma_semaphore, #tpu.memory_space<semaphore_mem>>) src(%arg9 : memref<8x1024xf32, #tpu.memory_space<vmem>>) dst(%dma_wait3A_70 : memref<8x1024xf32, #tpu.memory_space<hbm>>)
    %add3A_71 = arith.constant 992 : i32
    %add3A_72 = arith.addi %mul3A_2, %add3A_71 : i32
    %dma_wait3A_73 = arith.constant 0 : i32
    %dma_wait3A_74 = tpu.memref_slice %arg4[%add3A_72, %dma_wait3A_73] : memref<32768x1024xf32, #tpu.memory_space<hbm>> -> memref<8x1024xf32, #tpu.memory_space<hbm>>
    %dma_wait3A_75 = arith.constant 0 : i32
    %dma_wait3A_76 = tpu.memref_slice %arg4[%add3A_72, %dma_wait3A_75] : memref<32768x1024xf32, #tpu.memory_space<hbm>> -> memref<8x1024xf32, #tpu.memory_space<hbm>>
    tpu.wait_dma2 semaphore(%arg26 : memref<!tpu.dma_semaphore, #tpu.memory_space<semaphore_mem>>) src(%arg10 : memref<8x1024xf32, #tpu.memory_space<vmem>>) dst(%dma_wait3A_76 : memref<8x1024xf32, #tpu.memory_space<hbm>>)
    %add3A_77 = arith.constant 1000 : i32
    %add3A_78 = arith.addi %mul3A_2, %add3A_77 : i32
    %dma_wait3A_79 = arith.constant 0 : i32
    %dma_wait3A_80 = tpu.memref_slice %arg4[%add3A_78, %dma_wait3A_79] : memref<32768x1024xf32, #tpu.memory_space<hbm>> -> memref<8x1024xf32, #tpu.memory_space<hbm>>
    %dma_wait3A_81 = arith.constant 0 : i32
    %dma_wait3A_82 = tpu.memref_slice %arg4[%add3A_78, %dma_wait3A_81] : memref<32768x1024xf32, #tpu.memory_space<hbm>> -> memref<8x1024xf32, #tpu.memory_space<hbm>>
    tpu.wait_dma2 semaphore(%arg27 : memref<!tpu.dma_semaphore, #tpu.memory_space<semaphore_mem>>) src(%arg11 : memref<8x1024xf32, #tpu.memory_space<vmem>>) dst(%dma_wait3A_82 : memref<8x1024xf32, #tpu.memory_space<hbm>>)
    %add3A_83 = arith.constant 1008 : i32
    %add3A_84 = arith.addi %mul3A_2, %add3A_83 : i32
    %dma_wait3A_85 = arith.constant 0 : i32
    %dma_wait3A_86 = tpu.memref_slice %arg4[%add3A_84, %dma_wait3A_85] : memref<32768x1024xf32, #tpu.memory_space<hbm>> -> memref<8x1024xf32, #tpu.memory_space<hbm>>
    %dma_wait3A_87 = arith.constant 0 : i32
    %dma_wait3A_88 = tpu.memref_slice %arg4[%add3A_84, %dma_wait3A_87] : memref<32768x1024xf32, #tpu.memory_space<hbm>> -> memref<8x1024xf32, #tpu.memory_space<hbm>>
    tpu.wait_dma2 semaphore(%arg28 : memref<!tpu.dma_semaphore, #tpu.memory_space<semaphore_mem>>) src(%arg12 : memref<8x1024xf32, #tpu.memory_space<vmem>>) dst(%dma_wait3A_88 : memref<8x1024xf32, #tpu.memory_space<hbm>>)
    %add3A_89 = arith.constant 1016 : i32
    %add3A_90 = arith.addi %mul3A_2, %add3A_89 : i32
    %dma_wait3A_91 = arith.constant 0 : i32
    %dma_wait3A_92 = tpu.memref_slice %arg4[%add3A_90, %dma_wait3A_91] : memref<32768x1024xf32, #tpu.memory_space<hbm>> -> memref<8x1024xf32, #tpu.memory_space<hbm>>
    %dma_wait3A_93 = arith.constant 0 : i32
    %dma_wait3A_94 = tpu.memref_slice %arg4[%add3A_90, %dma_wait3A_93] : memref<32768x1024xf32, #tpu.memory_space<hbm>> -> memref<8x1024xf32, #tpu.memory_space<hbm>>
    tpu.wait_dma2 semaphore(%arg29 : memref<!tpu.dma_semaphore, #tpu.memory_space<semaphore_mem>>) src(%arg13 : memref<8x1024xf32, #tpu.memory_space<vmem>>) dst(%dma_wait3A_94 : memref<8x1024xf32, #tpu.memory_space<hbm>>)
    return
  }
}

</mosaic_0001>

<sc_bundles>
// kernel: _gather_sc.3.cloned.1.call-start
scs
__scs_entry_jumppad:
0x0: {  	(pc) =	sbr.rel $0x88, $3  }
0x1: {  	(tag) =	ssettag $0x0;
	lr =	simm.s32 $0x1  }
0x2: {  	[smem:$0x3F9F] =	sst lr;
	_ =	strace $0xD0000000  }
0x3: {  	_ = 	snop  }
0x4: {  	_ = 	snop  }
0x5: {  	_ = 	snop  }
0x6: {  	_ = 	snop  }
0x7: {  	_ = 	snop  }
__scs_overlays_trampoline_lowered:
0x8: {  	[smem:$0x3FAE] =	sst s0  }
0x9: {  	[smem:$0x3FAF] =	sst s1  }
0xa: {  	[smem:$0x3FB0] =	sst s2  }
0xb: {  	[smem:$0x3FB1] =	sst s3  }
0xc: {  	[smem:$0x3FB2] =	sst s4  }
0xd: {  	[smem:$0x3FB3] =	sst s5  }
0xe: {  	[smem:$0x3FB4] =	sst s6  }
0xf: {  	[smem:$0x3FB5] =	sst s7  }
0x10: {  	[smem:$0x3FB6] =	sst s8  }
0x11: {  	[smem:$0x3FB7] =	sst s9;
	s0 =	simm.s32 @!p0 $0x0  }
0x12: {  	s1 =	sld [smem:$0x3F9D];
	s0 =	simm.s32 @p0 $0x1  }
0x13: {  	[smem:$0x3FB8] =	sst s0;
	s0 =	simm.s32 @!p1 $0x0  }
0x14: {  	s2 =	sld [smem:$0x3F9C];
	s0 =	simm.s32 @p1 $0x1  }
0x15: {  	[smem:$0x3FB9] =	sst s0;
	s0 =	simm.s32 @!p2 $0x0  }
0x16: {  	s3 =	sld [smem:$0x3FDB];
	s0 =	simm.s32 @p2 $0x1  }
0x17: {  	s4 =	simm.s32 $0x1BF5;
	[smem:$0x3FBB] =	sst s0  }
0x18: {  	s0 =	sld [smem:$0x3F9E];
	_ =	swait.ge [sflag:s4], $0x0  }
0x19: {  	s7 =	sld [smem:$0x3F9F]  }
0x1a: {  	s8 =	sadd.s32 $0xFFFFE003, lr  }
0x1b: {  	s9 =	sadd.s32 $0xFFFFFEF7, lr;
	s5 =	simm.s32 $0xFFFFFFFF;
	p2 =	slt.u32 s8, $0xFFFFF086  }
0x1c: {  	p1 =	slt.u32 s9, $0xF7A;
	s5 =	simm.s32 @!p2 $0x0  }
0x1d: {  	s5 =	simm.s32 @p1 $0x1;
	p0 =	seq.s32 s7, s2  }
0x1e: {  	s7 =	smul.u32 @!p0 $0xF7A, s2;
	p2 =	seq.s32 @!p0 s5, $0x0  }
0x1f: {  	s9 =	smul.u32 $0xF7A, s1;
	s8 =	simm.s32 @!p0 $0x1BF5;
	p2 =	por !p2, p0  }
0x20: {  	[sflag:s8] =	ssyncset.s32 @!p0 $0xFFFFF086;
	s6 =	sadd.s32 @!p0 s3, s7;
	s7 =	simm.s32 @!p0 $0x108  }
0x21: {  	s3 =	sadd.s32 s3, s9;
	s6 =	sadd.s32 @!p0 $0x88, s6;
	s7 =	simm.s32 @p2 $0x1082  }
0x22: {  	[simem:s7], [sflag:s8] =	dma.local @!p0 [hbm:s6], $0xF7A  }
0x23: {  	s9 =	sor.u32 $0xD0000000, s2;
	s6 =	simm.s32 $0x108;
	_ =	swait.ge @!p0 [sflag:s8], $0x0  }
0x24: {  	s3 =	sadd.s32 $0x88, s3;
	s6 =	simm.s32 @!p1 $0x1082;
	[sflag:s4] =	ssyncset.s32 $0xFFFFF086  }
0x25: {  	[simem:s6], [sflag:s4] =	dma.local [hbm:s3], $0xF7A  }
0x26: {  	[smem:$0x3F9F] =	sst s1;
	(tag) =	ssettag s2;
	_ =	strace s9  }
0x27: {  	s1 =	sld [smem:$0x3FAF]  }
0x28: {  	s2 =	sld [smem:$0x3FB0]  }
0x29: {  	s4 =	sld [smem:$0x3FB2]  }
0x2a: {  	p0 =	seq.s32 s5, $0x0;
	s5 =	sld [smem:$0x3FB3]  }
0x2b: {  	s6 =	sld [smem:$0x3FB4]  }
0x2c: {  	s7 =	sld [smem:$0x3FB5]  }
0x2d: {  	s3 =	simm.s32 $0x108;
	s8 =	sld [smem:$0x3FB6]  }
0x2e: {  	s3 =	simm.s32 @!p0 $0x1082;
	s9 =	sld [smem:$0x3FB7]  }
0x2f: {  	lr =	sadd.s32 s0, s3;
	s0 =	sld [smem:$0x3FAE]  }
0x30: {  	s3 =	sld [smem:$0x3FB1]  }
0x31: {  	[smem:$0x3FBA] =	sst s10  }
0x32: {  	s10 =	sld [smem:$0x3FB8];
	_ =	sdelay $0x3  }
0x33: {  	p0 =	seq.s32 s10, $0x1;
	s10 =	sld [smem:$0x3FBA];
	_ =	sdelay $0x3  }
0x34: {  	[smem:$0x3FBA] =	sst s10  }
0x35: {  	s10 =	sld [smem:$0x3FB9];
	_ =	sdelay $0x3  }
0x36: {  	p1 =	seq.s32 s10, $0x1;
	s10 =	sld [smem:$0x3FBA];
	_ =	sdelay $0x3  }
0x37: {  	[smem:$0x3FBA] =	sst s10  }
0x38: {  	s10 =	sld [smem:$0x3FBB]  }
0x39: {  	_ = 	snop;
	(pc) =	sbr.ind lr, $3  }
0x3a: {  	_ = 	snop  }
0x3b: {  	_ = 	snop  }
0x3c: {  	p2 =	seq.s32 s10, $0x1;
	s10 =	sld [smem:$0x3FBA]  }
0x3d: {  	_ =	shalt  }
0x3e: {  	_ =	shalt  }
0x3f: {  	_ =	shalt  }
0x40: {  	_ =	shalt  }
0x41: {  	_ =	shalt  }
0x42: {  	_ =	shalt  }
0x43: {  	_ =	shalt  }
0x44: {  	_ =	shalt  }
0x45: {  	_ =	shalt  }
0x46: {  	_ =	shalt  }
0x47: {  	_ =	shalt  }
0x48: {  	_ =	shalt  }
0x49: {  	_ =	shalt  }
0x4a: {  	_ =	shalt  }
0x4b: {  	_ =	shalt  }
0x4c: {  	_ =	shalt  }
0x4d: {  	_ =	shalt  }
0x4e: {  	_ =	shalt  }
0x4f: {  	_ =	shalt  }
0x50: {  	_ =	shalt  }
0x51: {  	_ =	shalt  }
0x52: {  	_ =	shalt  }
0x53: {  	_ =	shalt  }
0x54: {  	_ =	shalt  }
0x55: {  	_ =	shalt  }
0x56: {  	_ =	shalt  }
0x57: {  	_ =	shalt  }
0x58: {  	_ =	shalt  }
0x59: {  	_ =	shalt  }
0x5a: {  	_ =	shalt  }
0x5b: {  	_ =	shalt  }
0x5c: {  	_ =	shalt  }
0x5d: {  	_ =	shalt  }
0x5e: {  	_ =	shalt  }
0x5f: {  	_ =	shalt  }
0x60: {  	_ =	shalt  }
0x61: {  	_ =	shalt  }
0x62: {  	_ =	shalt  }
0x63: {  	_ =	shalt  }
0x64: {  	_ =	shalt  }
0x65: {  	_ =	shalt  }
0x66: {  	_ =	shalt  }
0x67: {  	_ =	shalt  }
0x68: {  	_ =	shalt  }
0x69: {  	_ =	shalt  }
0x6a: {  	_ =	shalt  }
0x6b: {  	_ =	shalt  }
0x6c: {  	_ =	shalt  }
0x6d: {  	_ =	shalt  }
0x6e: {  	_ =	shalt  }
0x6f: {  	_ =	shalt  }
0x70: {  	_ =	shalt  }
0x71: {  	_ =	shalt  }
0x72: {  	_ =	shalt  }
0x73: {  	_ =	shalt  }
0x74: {  	_ =	shalt  }
0x75: {  	_ =	shalt  }
0x76: {  	_ =	shalt  }
0x77: {  	_ =	shalt  }
0x78: {  	_ =	shalt  }
0x79: {  	_ =	shalt  }
0x7a: {  	_ =	shalt  }
0x7b: {  	_ =	shalt  }
0x7c: {  	_ =	shalt  }
0x7d: {  	_ =	shalt  }
0x7e: {  	_ =	shalt  }
0x7f: {  	_ =	shalt  }
0x80: {  	_ =	shalt  }
0x81: {  	_ =	shalt  }
0x82: {  	_ =	shalt  }
0x83: {  	_ =	shalt  }
0x84: {  	_ =	shalt  }
0x85: {  	_ =	shalt  }
0x86: {  	_ =	shalt  }
0x87: {  	_ =	shalt  }
.Lfunc_end0:
.L_simem_size_0:
called_computation_lowered:
.L_overlay_start_0:
0x88: {  	s2 =	sld [smem:$0x3FD9]  }
0x89: {  	s3 =	sld [smem:$0x3FFE];
	_ =	sdelay $0x1  }
0x8a: {  	s1 =	srdreg.scid  }
0x8b: {  	s0 =	sand.u32 $0x1, s1  }
0x8c: {  	s18 =	sshll.u32 s0, $0xA;
	s2 =	sadd.s32 s3, s2  }
0x8d: {  	s2 =	sadd.s32 s2, s18  }
0x8e: {  	[smem:$0x3FC6] =	sst s2  }
0x8f: {  	_ = 	snop  }
0x90: {  	s2 =	sld [smem:$0x3FC9]  }
0x91: {  	s19 =	sld [smem:$0x3FC8]  }
0x92: {  	s4 =	sld [smem:$0x3FD0];
	(tm) =	ssettm $0x1  }
0x93: {  	s5 =	sld [smem:$0x3FFB];
	_ =	sdelay $0x3  }
0x94: {  	_ =	strace s5  }
0x95: {  	s5 =	sld [smem:$0x3FFC];
	_ =	sdelay $0x3  }
0x96: {  	_ =	strace s5  }
0x97: {  	s5 =	sld [smem:$0x3FFD];
	_ =	sdelay $0x3  }
0x98: {  	_ =	strace s5  }
0x99: {  	_ =	strace $0x8FFFFFFF  }
0x9a: {  	s20 =	sld [smem:$0x3FDB];
	_ =	sdelay $0x1  }
0x9b: {  	s6 =	simm.s32 $_scs_section_size  }
0x9c: {  	s7 =	simm.s32 $_size__tile_overlayer_lowered;
	s8 =	simm.s32 $_tile_overlayer_lowered  }
0x9d: {  	s23 =	simm.s32 $0x1BFF;
	s22 =	sshll.u32 s8, $0x1;
	s5 =	sadd.s32 s6, s20  }
0x9e: {  	s9 =	simm.s32 $0x0;
	s21 =	sshll.u32 s7, $0x1;
	s7 =	sadd.s32 s22, s5  }
0x9f: {  	[timem:s9], [sflag:s23] =	dma.local [hbm:s7], s21  }
0xa0: {  	_ =	swait.ge [sflag:s23], s21  }
0xa1: {  	s6 =	ssub.s32 $0x0, s21;
	[sflag:s23] =	ssyncset.done $0x0  }
0xa2: {  	[sflag:s23] =	ssyncadd.s32 s6;
	_ =	sdelay $0x1  }
0xa3: {  	s24 =	simm.s32 $0x1B8B  }
0xa4: {  	_ =	swait.ge [sflag:s24], $0x1  }
0xa5: {  	[sflag:s24] =	ssyncset.done $0x0  }
0xa6: {  	s25 =	simm.s32 $0x1B8E;
	[sflag:s24] =	ssyncadd.s32 $0xFFFFFFFF  }
0xa7: {  	s26 =	simm.s32 $execute0_lowered;
	[smem:$0x3FD2] =	sst s25  }
0xa8: {  	s6 =	sshll.u32 s26, $0x1;
	_ =	strace $0x80000046;
	[dreg:$0x1] =	wrdreg $0xFFFFFFFF  }
0xa9: {  	s28 =	simm.s32 $_size_execute0_lowered;
	s5 =	sadd.s32 s5, s6;
	[dreg:$0x0] =	wrdreg $0x0  }
0xaa: {  	s6 =	sshll.u32 s28, $0x1;
	[dreg:$0x2] =	wrdreg s5  }
0xab: {  	[dreg:$0x3] =	wrdreg s6  }
0xac: {  	[dreg:$0x4] =	wrdreg $0xC0  }
0xad: {  	_ =	task [dreg:s9], $0x5FFFF  }
0xae: {  	[dreg:$0x1] =	wrdreg $0xFFFFFFFF  }
0xaf: {  	[dreg:$0x0] =	wrdreg $0x60  }
0xb0: {  	[dreg:$0x2] =	wrdreg s19  }
0xb1: {  	[dreg:$0x3] =	wrdreg s2  }
0xb2: {  	[dreg:$0x4] =	wrdreg s4  }
0xb3: {  	[dreg:$0x5] =	wrdreg $0x9  }
0xb4: {  	_ =	task.clear_ibuf [dreg:s9], $0x6FFFF;
	_ =	strace $0x90000046  }
0xb5: {  	s29 =	simm.s32 $0x9;
	_ =	strace $0x80000048  }
0xb6: {  	_ =	swait.ge [sflag:s29], $0x1  }
0xb7: {  	[sflag:s29] =	ssyncadd.s32 $0xFFFFFFFF  }
0xb8: {  	_ =	strace $0x90000048  }
0xb9: {  	_ =	sfence  }
0xba: {  	s30 =	sld [smem:$0x0];
	_ =	sdelay $0x2  }
0xbb: {  	s31 =	sshll.u32 s1, $0xD;
	s1 =	sshrl.u32 s1, $0x2  }
0xbc: {  	s3 =	sand.u32 $0x4000, s31;
	s1 =	sadd.s32 s1, s30  }
0xbd: {  	s0 =	sor.u32 s3, s0;
	s1 =	sshll.u32 s1, $0x11  }
0xbe: {  	s0 =	sor.u32 s1, s0  }
0xbf: {  	s0 =	sadd.s32 $0x8F2B, s0  }
0xc0: {  	[sflag:s0] =	ssyncadd.remote.s32 $0x1  }
0xc1: {  	_ =	sfence.sel $0xFFFF  }
0xc2: {  	[dreg:$0x0] =	wrdreg $0xFFFFFFFF;
	(pc) =	sbr.abs _section_cstart, $3  }
0xc3: {  	[dreg:$0x1] =	wrdreg $0xFFFFFFFF  }
0xc4: {  	_ =	task.clear_ibuf [dreg:s9], $0x2FFFF;
	_ =	strace $0x9FFFFFFF  }
0xc5: {  	(tm) =	ssettm $0x7FFFFFFF  }
tec
execute0_lowered:
.L_overlay_start_1:
0x0: {  	(tag) =	ssettag $0x1  }
0x1: {  	s1 =	rddreg [dreg:$0x0]  }
0x2: {  	s0 =	rddreg [dreg:$0x1]  }
0x3: {  	s2 =	rddreg [dreg:$0x2]  }
0x4: {  	s3 =	srdreg.scid;
	s9 =	stileid.u32;
	s15 =	simm.s32 $0x400  }
0x5: {  	s11 =	simm.s32 $0x2400;
	s19 =	simm.s32 $0x4400;
	s20 =	simm.s32 $0x6400  }
0x6: {  	s10 =	simm.s32 $0xA400;
	s16 =	simm.s32 $0xC400;
	s21 =	simm.s32 $0xE400  }
0x7: {  	s22 =	simm.s32 $0x2;
	s29 =	simm.s32 $0x6;
	s30 =	simm.s32 $0x7  }
0x8: {  	s31 =	simm.s32 $0x8;
	s12 =	simm.s32 $0xC;
	s13 =	simm.s32 $0xD  }
0x9: {  	s14 =	simm.s32 $0xE;
	s17 =	simm.s32 $0xF;
	s18 =	simm.s32 $0x10  }
0xa: {  	s23 =	simm.s32 $0x0;
	s28 =	simm.s32 $0x6400;
	s4 =	sand.u32 $0x1, s3  }
0xb: {  	s3 =	simm.s32 $0x0;
	s5 =	sshll.u32 s9, $0xB;
	s25 =	sshll.u32 s9, $0x12  }
0xc: {  	s6 =	sshll.u32 s4, $0xA;
	[smem:$0x7FF] =	sst s3;
	s7 =	ssub.s32 $0x2, s4  }
0xd: {  	s26 =	sshll.u32 s4, $0x11;
	s4 =	simm.s32 $0xA;
	s5 =	sor.u32 s6, s5  }
0xe: {  	_ =	strace $0x80000047;
	s24 =	sshrl.u32 s7, $0x1;
	s6 =	sadd.s32 $0x200, s1  }
0xf: {  	s5 =	sshrl.u32 s5, $0x3;
	s8 =	ssub.s32 s7, s24;
	s7 =	sadd.s32 $0x300, s1  }
.Ltmp0:
0x10: {  	s24 =	simm.s32 $0x3;
	s0 =	sadd.s32 s0, s5;
	(pc) =	sbr.rel .LBB2_1-.Ltmp0, $4  }
0x11: {  	s5 =	sadd.s32 $0x100, s1;
	s8 =	smax.u32 s8, $0x1;
	[dreg:$0x4] =	wrdreg s0  }
0x12: {  	v0 =	vlaneseq.u32;
	[dreg:$0x5] =	wrdreg s8;
	s0 =	sadd.s32 s25, s2;
	s25 =	simm.s32 $0x4  }
0x13: {  	v1 =	vshrl.u32 v0, $0x3;
	s2 =	simm.s32 $0x9;
	s8 =	simm.s32 $0xB;
	s0 =	sadd.s32 s26, s0  }
0x14: {  	vm0 =	vmmov $0xffff;
	v0 =	vand.u32 $0x7, v0;
	v1 =	vmul.u32 $0x8, v1;
	s26 =	simm.s32 $0x5;
	[dreg:$0x6] =	wrdreg s0;
	s0 =	simm.s32 $0x8400  }
.LBB2_4:
0x15: {  	_ =	swait.ge [sflag:s2], $0x2000  }
0x16: {  	[sflag:s2] =	ssyncset.done $0x0  }
0x17: {  	[sflag:s2] =	ssyncadd.s32 $0xFFFFE000  }
0x18: {  	_ =	swait.ge [sflag:s4], $0x2000  }
0x19: {  	[sflag:s4] =	ssyncset.done $0x0  }
0x1a: {  	[sflag:s4] =	ssyncadd.s32 $0xFFFFE000  }
0x1b: {  	_ =	swait.ge [sflag:s8], $0x2000  }
0x1c: {  	[sflag:s8] =	ssyncset.done $0x0  }
0x1d: {  	[sflag:s8] =	ssyncadd.s32 $0xFFFFE000  }
0x1e: {  	_ =	swait.ge [sflag:s12], $0x2000  }
0x1f: {  	[sflag:s12] =	ssyncset.done $0x0  }
0x20: {  	[sflag:s12] =	ssyncadd.s32 $0xFFFFE000  }
0x21: {  	_ =	swait.ge [sflag:s13], $0x2000  }
0x22: {  	[sflag:s13] =	ssyncset.done $0x0  }
0x23: {  	[sflag:s13] =	ssyncadd.s32 $0xFFFFE000  }
0x24: {  	_ =	swait.ge [sflag:s14], $0x2000  }
0x25: {  	[sflag:s14] =	ssyncset.done $0x0  }
0x26: {  	[sflag:s14] =	ssyncadd.s32 $0xFFFFE000  }
0x27: {  	_ =	swait.ge [sflag:s17], $0x2000  }
0x28: {  	[sflag:s17] =	ssyncset.done $0x0  }
0x29: {  	[sflag:s17] =	ssyncadd.s32 $0xFFFFE000  }
0x2a: {  	_ =	swait.ge [sflag:s18], $0x2000  }
0x2b: {  	s23 =	rddreg [dreg:$0x7]  }
0x2c: {  	s9 =	rddreg [dreg:$0x5];
	s23 =	sadd.s32 $0x1, s23  }
0x2d: {  	p0 =	sne.s32 s23, s9  }
.Ltmp1:
0x2e: {  	_ = 	snop;
	(pc) =	sbr.rel @!p0 .LBB2_5-.Ltmp1, $4  }
0x2f: {  	_ = 	snop  }
0x30: {  	s11 =	simm.s32 $0x2400;
	s19 =	simm.s32 $0x4400;
	s20 =	simm.s32 $0x6400  }
0x31: {  	s0 =	simm.s32 $0x8400;
	s10 =	simm.s32 $0xA400;
	[sflag:s18] =	ssyncset.done $0x0  }
0x32: {  	s16 =	simm.s32 $0xC400;
	s21 =	simm.s32 $0xE400;
	[sflag:s18] =	ssyncadd.s32 $0xFFFFE000  }
.LBB2_1:
0x33: {  	[dreg:$0x7] =	wrdreg s23  }
0x34: {  	s9 =	rddreg [dreg:$0x4];
	s23 =	simm.s32 $0x11  }
0x35: {  	[tilespmem:s3], [sflag:$0x11] =	stream.linear.gather [hbm4b:s9+s3], $0x400, $0x38;
	[tilespmem:$0x10400] =	vst v63  }
0x36: {  	_ =	swait.ge [sflag:s23], $0x400  }
0x37: {  	[sflag:s23] =	ssyncset.done $0x0  }
0x38: {  	[sflag:s23] =	ssyncadd.s32 $0xFFFFFC00  }
0x39: {  	v2 =	vld.msk [tilespmem:$0x0], $0xff;
	_ =	sdelay $0x4  }
0x3a: {  	v3 =	vshll.u32 v2, $0x3  }
0x3b: {  	v2 =	vand.u32 $0x7, v2;
	v3 =	vand.u32 $0xFFFFFFC0, v3  }
0x3c: {  	v2 =	vor.u32 v2, v3  }
0x3d: {  	v2 =	vperm.xlane v2, v0;
	_ =	sdelay $0x1  }
0x3e: {  	v2 =	vadd.s32 v1, v2;
	_ =	sdelay $0x4  }
0x3f: {  	[tilespmem:s15], [sflag:$0x1] =	stream.indirect_vreg.gather [hbm4b:s1+s3], $0x80, v2, vm0, $0xb8;
	[tilespmem:$0x10400] =	vst v63  }
0x40: {  	s23 =	simm.s32 $0xC00  }
0x41: {  	[tilespmem:s23], [sflag:$0x1] =	stream.indirect_vreg.gather [hbm4b:s5+s3], $0x80, v2, vm0, $0xb8;
	[tilespmem:$0x10400] =	vst v63  }
0x42: {  	s23 =	simm.s32 $0x1400  }
0x43: {  	[tilespmem:s23], [sflag:$0x1] =	stream.indirect_vreg.gather [hbm4b:s6+s3], $0x80, v2, vm0, $0xb8;
	[tilespmem:$0x10400] =	vst v63  }
0x44: {  	s23 =	simm.s32 $0x1C00  }
0x45: {  	[tilespmem:s23], [sflag:$0x1] =	stream.indirect_vreg.gather [hbm4b:s7+s3], $0x80, v2, vm0, $0xb8;
	[tilespmem:$0x10400] =	vst v63  }
0x46: {  	v2 =	vld.msk [tilespmem:$0x8], $0xff;
	_ =	sdelay $0x4  }
0x47: {  	v3 =	vshll.u32 v2, $0x3  }
0x48: {  	v2 =	vand.u32 $0x7, v2;
	v3 =	vand.u32 $0xFFFFFFC0, v3  }
0x49: {  	v2 =	vor.u32 v2, v3  }
0x4a: {  	v2 =	vperm.xlane v2, v0;
	_ =	sdelay $0x1  }
0x4b: {  	v2 =	vadd.s32 v1, v2;
	_ =	sdelay $0x4  }
0x4c: {  	[tilespmem:s11], [sflag:$0x2] =	stream.indirect_vreg.gather [hbm4b:s1+s3], $0x80, v2, vm0, $0xb8;
	[tilespmem:$0x10400] =	vst v63  }
0x4d: {  	s11 =	simm.s32 $0x2C00  }
0x4e: {  	[tilespmem:s11], [sflag:$0x2] =	stream.indirect_vreg.gather [hbm4b:s5+s3], $0x80, v2, vm0, $0xb8;
	[tilespmem:$0x10400] =	vst v63  }
0x4f: {  	s23 =	simm.s32 $0x3400  }
0x50: {  	[tilespmem:s23], [sflag:$0x2] =	stream.indirect_vreg.gather [hbm4b:s6+s3], $0x80, v2, vm0, $0xb8;
	[tilespmem:$0x10400] =	vst v63  }
0x51: {  	s11 =	simm.s32 $0x3C00  }
0x52: {  	[tilespmem:s11], [sflag:$0x2] =	stream.indirect_vreg.gather [hbm4b:s7+s3], $0x80, v2, vm0, $0xb8;
	[tilespmem:$0x10400] =	vst v63  }
0x53: {  	v2 =	vld.msk [tilespmem:$0x10], $0xff;
	_ =	sdelay $0x4  }
0x54: {  	v3 =	vshll.u32 v2, $0x3  }
0x55: {  	v2 =	vand.u32 $0x7, v2;
	v3 =	vand.u32 $0xFFFFFFC0, v3  }
0x56: {  	v2 =	vor.u32 v2, v3  }
0x57: {  	v2 =	vperm.xlane v2, v0;
	_ =	sdelay $0x1  }
0x58: {  	v2 =	vadd.s32 v1, v2;
	_ =	sdelay $0x4  }
0x59: {  	[tilespmem:s19], [sflag:$0x3] =	stream.indirect_vreg.gather [hbm4b:s1+s3], $0x80, v2, vm0, $0xb8;
	[tilespmem:$0x10400] =	vst v63  }
0x5a: {  	s19 =	simm.s32 $0x4C00  }
0x5b: {  	[tilespmem:s19], [sflag:$0x3] =	stream.indirect_vreg.gather [hbm4b:s5+s3], $0x80, v2, vm0, $0xb8;
	[tilespmem:$0x10400] =	vst v63  }
0x5c: {  	s23 =	simm.s32 $0x5400  }
0x5d: {  	[tilespmem:s23], [sflag:$0x3] =	stream.indirect_vreg.gather [hbm4b:s6+s3], $0x80, v2, vm0, $0xb8;
	[tilespmem:$0x10400] =	vst v63  }
0x5e: {  	s11 =	simm.s32 $0x5C00  }
0x5f: {  	[tilespmem:s11], [sflag:$0x3] =	stream.indirect_vreg.gather [hbm4b:s7+s3], $0x80, v2, vm0, $0xb8;
	[tilespmem:$0x10400] =	vst v63  }
0x60: {  	v2 =	vld.msk [tilespmem:$0x18], $0xff;
	_ =	sdelay $0x4  }
0x61: {  	v3 =	vshll.u32 v2, $0x3  }
0x62: {  	v2 =	vand.u32 $0x7, v2;
	v3 =	vand.u32 $0xFFFFFFC0, v3  }
0x63: {  	v2 =	vor.u32 v2, v3  }
0x64: {  	v2 =	vperm.xlane v2, v0;
	_ =	sdelay $0x1  }
0x65: {  	v2 =	vadd.s32 v1, v2;
	_ =	sdelay $0x4  }
0x66: {  	[tilespmem:s20], [sflag:$0x4] =	stream.indirect_vreg.gather [hbm4b:s1+s3], $0x80, v2, vm0, $0xb8;
	[tilespmem:$0x10400] =	vst v63  }
0x67: {  	s19 =	simm.s32 $0x6C00  }
0x68: {  	[tilespmem:s19], [sflag:$0x4] =	stream.indirect_vreg.gather [hbm4b:s5+s3], $0x80, v2, vm0, $0xb8;
	[tilespmem:$0x10400] =	vst v63  }
0x69: {  	s20 =	simm.s32 $0x7400  }
0x6a: {  	[tilespmem:s20], [sflag:$0x4] =	stream.indirect_vreg.gather [hbm4b:s6+s3], $0x80, v2, vm0, $0xb8;
	[tilespmem:$0x10400] =	vst v63  }
0x6b: {  	s23 =	simm.s32 $0x7C00  }
0x6c: {  	[tilespmem:s23], [sflag:$0x4] =	stream.indirect_vreg.gather [hbm4b:s7+s3], $0x80, v2, vm0, $0xb8;
	[tilespmem:$0x10400] =	vst v63  }
0x6d: {  	v2 =	vld.msk [tilespmem:$0x20], $0xff;
	_ =	sdelay $0x4  }
0x6e: {  	v3 =	vshll.u32 v2, $0x3  }
0x6f: {  	v2 =	vand.u32 $0x7, v2;
	v3 =	vand.u32 $0xFFFFFFC0, v3  }
0x70: {  	v2 =	vor.u32 v2, v3  }
0x71: {  	v2 =	vperm.xlane v2, v0;
	_ =	sdelay $0x1  }
0x72: {  	v2 =	vadd.s32 v1, v2;
	_ =	sdelay $0x4  }
0x73: {  	[tilespmem:s0], [sflag:$0x5] =	stream.indirect_vreg.gather [hbm4b:s1+s3], $0x80, v2, vm0, $0xb8;
	[tilespmem:$0x10400] =	vst v63  }
0x74: {  	s11 =	simm.s32 $0x8C00  }
0x75: {  	[tilespmem:s11], [sflag:$0x5] =	stream.indirect_vreg.gather [hbm4b:s5+s3], $0x80, v2, vm0, $0xb8;
	[tilespmem:$0x10400] =	vst v63  }
0x76: {  	s19 =	simm.s32 $0x9400  }
0x77: {  	[tilespmem:s19], [sflag:$0x5] =	stream.indirect_vreg.gather [hbm4b:s6+s3], $0x80, v2, vm0, $0xb8;
	[tilespmem:$0x10400] =	vst v63  }
0x78: {  	s20 =	simm.s32 $0x9C00  }
0x79: {  	[tilespmem:s20], [sflag:$0x5] =	stream.indirect_vreg.gather [hbm4b:s7+s3], $0x80, v2, vm0, $0xb8;
	[tilespmem:$0x10400] =	vst v63  }
0x7a: {  	v2 =	vld.msk [tilespmem:$0x28], $0xff;
	_ =	sdelay $0x4  }
0x7b: {  	v3 =	vshll.u32 v2, $0x3  }
0x7c: {  	v2 =	vand.u32 $0x7, v2;
	v3 =	vand.u32 $0xFFFFFFC0, v3  }
0x7d: {  	v2 =	vor.u32 v2, v3  }
0x7e: {  	v2 =	vperm.xlane v2, v0;
	_ =	sdelay $0x1  }
0x7f: {  	v2 =	vadd.s32 v1, v2;
	_ =	sdelay $0x4  }
0x80: {  	[tilespmem:s10], [sflag:$0x6] =	stream.indirect_vreg.gather [hbm4b:s1+s3], $0x80, v2, vm0, $0xb8;
	[tilespmem:$0x10400] =	vst v63  }
0x81: {  	s23 =	simm.s32 $0xAC00  }
0x82: {  	[tilespmem:s23], [sflag:$0x6] =	stream.indirect_vreg.gather [hbm4b:s5+s3], $0x80, v2, vm0, $0xb8;
	[tilespmem:$0x10400] =	vst v63  }
0x83: {  	s9 =	simm.s32 $0xB400  }
0x84: {  	[tilespmem:s9], [sflag:$0x6] =	stream.indirect_vreg.gather [hbm4b:s6+s3], $0x80, v2, vm0, $0xb8;
	[tilespmem:$0x10400] =	vst v63  }
0x85: {  	s10 =	simm.s32 $0xBC00  }
0x86: {  	[tilespmem:s10], [sflag:$0x6] =	stream.indirect_vreg.gather [hbm4b:s7+s3], $0x80, v2, vm0, $0xb8;
	[tilespmem:$0x10400] =	vst v63  }
0x87: {  	v2 =	vld.msk [tilespmem:$0x30], $0xff;
	_ =	sdelay $0x4  }
0x88: {  	v3 =	vshll.u32 v2, $0x3  }
0x89: {  	v2 =	vand.u32 $0x7, v2;
	v3 =	vand.u32 $0xFFFFFFC0, v3  }
0x8a: {  	v2 =	vor.u32 v2, v3  }
0x8b: {  	v2 =	vperm.xlane v2, v0;
	_ =	sdelay $0x1  }
0x8c: {  	v2 =	vadd.s32 v1, v2;
	_ =	sdelay $0x4  }
0x8d: {  	[tilespmem:s16], [sflag:$0x7] =	stream.indirect_vreg.gather [hbm4b:s1+s3], $0x80, v2, vm0, $0xb8;
	[tilespmem:$0x10400] =	vst v63  }
0x8e: {  	s11 =	simm.s32 $0xCC00  }
0x8f: {  	[tilespmem:s11], [sflag:$0x7] =	stream.indirect_vreg.gather [hbm4b:s5+s3], $0x80, v2, vm0, $0xb8;
	[tilespmem:$0x10400] =	vst v63  }
0x90: {  	s16 =	simm.s32 $0xD400  }
0x91: {  	[tilespmem:s16], [sflag:$0x7] =	stream.indirect_vreg.gather [hbm4b:s6+s3], $0x80, v2, vm0, $0xb8;
	[tilespmem:$0x10400] =	vst v63  }
0x92: {  	s19 =	simm.s32 $0xDC00  }
0x93: {  	[tilespmem:s19], [sflag:$0x7] =	stream.indirect_vreg.gather [hbm4b:s7+s3], $0x80, v2, vm0, $0xb8;
	[tilespmem:$0x10400] =	vst v63  }
0x94: {  	v2 =	vld.msk [tilespmem:$0x38], $0xff;
	_ =	sdelay $0x4  }
0x95: {  	v3 =	vshll.u32 v2, $0x3  }
0x96: {  	v2 =	vand.u32 $0x7, v2;
	v3 =	vand.u32 $0xFFFFFFC0, v3  }
0x97: {  	v2 =	vor.u32 v2, v3  }
0x98: {  	v2 =	vperm.xlane v2, v0;
	_ =	sdelay $0x1  }
0x99: {  	v2 =	vadd.s32 v1, v2;
	_ =	sdelay $0x4  }
0x9a: {  	[tilespmem:s21], [sflag:$0x8] =	stream.indirect_vreg.gather [hbm4b:s1+s3], $0x80, v2, vm0, $0xb8;
	[tilespmem:$0x10400] =	vst v63  }
0x9b: {  	s0 =	simm.s32 $0x8400;
	s20 =	simm.s32 $0xEC00  }
0x9c: {  	[tilespmem:s20], [sflag:$0x8] =	stream.indirect_vreg.gather [hbm4b:s5+s3], $0x80, v2, vm0, $0xb8;
	[tilespmem:$0x10400] =	vst v63  }
0x9d: {  	s23 =	simm.s32 $0xFC00;
	s9 =	simm.s32 $0x0;
	s21 =	simm.s32 $0xF400  }
0x9e: {  	[tilespmem:s21], [sflag:$0x8] =	stream.indirect_vreg.gather [hbm4b:s6+s3], $0x80, v2, vm0, $0xb8;
	[tilespmem:$0x10400] =	vst v63  }
0x9f: {  	s10 =	simm.s32 $0xA400;
	s16 =	simm.s32 $0xC400;
	s19 =	simm.s32 $0x2400  }
0xa0: {  	[tilespmem:s23], [sflag:$0x8] =	stream.indirect_vreg.gather [hbm4b:s7+s3], $0x80, v2, vm0, $0xb8;
	[tilespmem:$0x10400] =	vst v63  }
0xa1: {  	s20 =	simm.s32 $0x78;
	s21 =	simm.s32 $0xE400;
	s23 =	simm.s32 $0x4400  }
.LBB2_2:
0xa2: {  	s11 =	simm.s32 $0x1  }
0xa3: {  	_ =	swait.ge [sflag:s11], $0x2000  }
0xa4: {  	[sflag:s11] =	ssyncset.done $0x0  }
0xa5: {  	[sflag:s11] =	ssyncadd.s32 $0xFFFFE000;
	s11 =	rddreg [dreg:$0x6]  }
0xa6: {  	s11 =	sadd.s32 s9, s11  }
0xa7: {  	[hbm4b:s11+s3] =	stream.linear.scatter [tilespmem:s15], [sflag:$0x9], $0x2000, $0x38;
	[tilespmem:$0x10400] =	vst v63  }
0xa8: {  	_ =	swait.ge [sflag:s22], $0x2000  }
0xa9: {  	[sflag:s22] =	ssyncset.done $0x0  }
0xaa: {  	s15 =	sadd.s32 $0x400, s11;
	[sflag:s22] =	ssyncadd.s32 $0xFFFFE000  }
0xab: {  	[hbm4b:s15+s3] =	stream.linear.scatter [tilespmem:s19], [sflag:$0xA], $0x2000, $0x38;
	[tilespmem:$0x10400] =	vst v63  }
0xac: {  	_ =	swait.ge [sflag:s24], $0x2000  }
0xad: {  	[sflag:s24] =	ssyncset.done $0x0  }
0xae: {  	s15 =	sadd.s32 $0x800, s11;
	[sflag:s24] =	ssyncadd.s32 $0xFFFFE000  }
0xaf: {  	[hbm4b:s15+s3] =	stream.linear.scatter [tilespmem:s23], [sflag:$0xB], $0x2000, $0x38;
	[tilespmem:$0x10400] =	vst v63  }
0xb0: {  	_ =	swait.ge [sflag:s25], $0x2000  }
0xb1: {  	[sflag:s25] =	ssyncset.done $0x0  }
0xb2: {  	s15 =	sadd.s32 $0xC00, s11;
	[sflag:s25] =	ssyncadd.s32 $0xFFFFE000  }
0xb3: {  	[hbm4b:s15+s3] =	stream.linear.scatter [tilespmem:s28], [sflag:$0xC], $0x2000, $0x38;
	[tilespmem:$0x10400] =	vst v63  }
0xb4: {  	_ =	swait.ge [sflag:s26], $0x2000  }
0xb5: {  	[sflag:s26] =	ssyncset.done $0x0  }
0xb6: {  	s15 =	sadd.s32 $0x1000, s11;
	[sflag:s26] =	ssyncadd.s32 $0xFFFFE000  }
0xb7: {  	[hbm4b:s15+s3] =	stream.linear.scatter [tilespmem:s0], [sflag:$0xD], $0x2000, $0x38;
	[tilespmem:$0x10400] =	vst v63  }
0xb8: {  	_ =	swait.ge [sflag:s29], $0x2000  }
0xb9: {  	[sflag:s29] =	ssyncset.done $0x0  }
0xba: {  	s15 =	sadd.s32 $0x1400, s11;
	[sflag:s29] =	ssyncadd.s32 $0xFFFFE000  }
0xbb: {  	[hbm4b:s15+s3] =	stream.linear.scatter [tilespmem:s10], [sflag:$0xE], $0x2000, $0x38;
	[tilespmem:$0x10400] =	vst v63  }
0xbc: {  	_ =	swait.ge [sflag:s30], $0x2000  }
0xbd: {  	[sflag:s30] =	ssyncset.done $0x0  }
0xbe: {  	p0 =	seq.s32 s9, $0x1E000;
	s15 =	sadd.s32 $0x1800, s11;
	[sflag:s30] =	ssyncadd.s32 $0xFFFFE000  }
0xbf: {  	[hbm4b:s15+s3] =	stream.linear.scatter [tilespmem:s16], [sflag:$0xF], $0x2000, $0x38;
	[tilespmem:$0x10400] =	vst v63  }
.Ltmp2:
0xc0: {  	_ = 	snop;
	(pc) =	sbr.rel @p0 .LBB2_4-.Ltmp2, $4  }
0xc1: {  	_ =	swait.ge [sflag:s31], $0x2000  }
0xc2: {  	[sflag:s31] =	ssyncset.done $0x0  }
0xc3: {  	s11 =	sadd.s32 $0x1C00, s11;
	s15 =	simm.s32 $0x400;
	[sflag:s31] =	ssyncadd.s32 $0xFFFFE000  }
0xc4: {  	[hbm4b:s11+s3] =	stream.linear.scatter [tilespmem:s21], [sflag:$0x10], $0x2000, $0x38;
	[tilespmem:$0x10400] =	vst v63  }
0xc5: {  	_ =	swait.ge [sflag:s2], $0x2000  }
0xc6: {  	[sflag:s2] =	ssyncset.done $0x0  }
0xc7: {  	[sflag:s2] =	ssyncadd.s32 $0xFFFFE000  }
0xc8: {  	v2 =	vld.msk [tilespmem:s20+$0xFFFFFFC8], $0xff;
	_ =	sdelay $0x4  }
0xc9: {  	v3 =	vshll.u32 v2, $0x3  }
0xca: {  	v2 =	vand.u32 $0x7, v2;
	v3 =	vand.u32 $0xFFFFFFC0, v3  }
0xcb: {  	v2 =	vor.u32 v2, v3  }
0xcc: {  	v2 =	vperm.xlane v2, v0;
	_ =	sdelay $0x1  }
0xcd: {  	v2 =	vadd.s32 v1, v2;
	_ =	sdelay $0x4  }
0xce: {  	[tilespmem:s15], [sflag:$0x1] =	stream.indirect_vreg.gather [hbm4b:s1+s3], $0x80, v2, vm0, $0xb8;
	[tilespmem:$0x10400] =	vst v63  }
0xcf: {  	s11 =	simm.s32 $0xC00  }
0xd0: {  	[tilespmem:s11], [sflag:$0x1] =	stream.indirect_vreg.gather [hbm4b:s5+s3], $0x80, v2, vm0, $0xb8;
	[tilespmem:$0x10400] =	vst v63  }
0xd1: {  	s11 =	simm.s32 $0x1400  }
0xd2: {  	[tilespmem:s11], [sflag:$0x1] =	stream.indirect_vreg.gather [hbm4b:s6+s3], $0x80, v2, vm0, $0xb8;
	[tilespmem:$0x10400] =	vst v63  }
0xd3: {  	s11 =	simm.s32 $0x1C00  }
0xd4: {  	[tilespmem:s11], [sflag:$0x1] =	stream.indirect_vreg.gather [hbm4b:s7+s3], $0x80, v2, vm0, $0xb8;
	[tilespmem:$0x10400] =	vst v63  }
0xd5: {  	_ =	swait.ge [sflag:s4], $0x2000  }
0xd6: {  	[sflag:s4] =	ssyncset.done $0x0  }
0xd7: {  	[sflag:s4] =	ssyncadd.s32 $0xFFFFE000  }
0xd8: {  	v2 =	vld.msk [tilespmem:s20+$0xFFFFFFD0], $0xff;
	_ =	sdelay $0x4  }
0xd9: {  	v3 =	vshll.u32 v2, $0x3  }
0xda: {  	v2 =	vand.u32 $0x7, v2;
	v3 =	vand.u32 $0xFFFFFFC0, v3  }
0xdb: {  	v2 =	vor.u32 v2, v3  }
0xdc: {  	v2 =	vperm.xlane v2, v0;
	_ =	sdelay $0x1  }
0xdd: {  	v2 =	vadd.s32 v1, v2;
	_ =	sdelay $0x4  }
0xde: {  	[tilespmem:s19], [sflag:$0x2] =	stream.indirect_vreg.gather [hbm4b:s1+s3], $0x80, v2, vm0, $0xb8;
	[tilespmem:$0x10400] =	vst v63  }
0xdf: {  	s11 =	simm.s32 $0x2C00  }
0xe0: {  	[tilespmem:s11], [sflag:$0x2] =	stream.indirect_vreg.gather [hbm4b:s5+s3], $0x80, v2, vm0, $0xb8;
	[tilespmem:$0x10400] =	vst v63  }
0xe1: {  	s11 =	simm.s32 $0x3400  }
0xe2: {  	[tilespmem:s11], [sflag:$0x2] =	stream.indirect_vreg.gather [hbm4b:s6+s3], $0x80, v2, vm0, $0xb8;
	[tilespmem:$0x10400] =	vst v63  }
0xe3: {  	s11 =	simm.s32 $0x3C00  }
0xe4: {  	[tilespmem:s11], [sflag:$0x2] =	stream.indirect_vreg.gather [hbm4b:s7+s3], $0x80, v2, vm0, $0xb8;
	[tilespmem:$0x10400] =	vst v63  }
0xe5: {  	_ =	swait.ge [sflag:s8], $0x2000  }
0xe6: {  	[sflag:s8] =	ssyncset.done $0x0  }
0xe7: {  	[sflag:s8] =	ssyncadd.s32 $0xFFFFE000  }
0xe8: {  	v2 =	vld.msk [tilespmem:s20+$0xFFFFFFD8], $0xff;
	_ =	sdelay $0x4  }
0xe9: {  	v3 =	vshll.u32 v2, $0x3  }
0xea: {  	v2 =	vand.u32 $0x7, v2;
	v3 =	vand.u32 $0xFFFFFFC0, v3  }
0xeb: {  	v2 =	vor.u32 v2, v3  }
0xec: {  	v2 =	vperm.xlane v2, v0;
	_ =	sdelay $0x1  }
0xed: {  	v2 =	vadd.s32 v1, v2;
	_ =	sdelay $0x4  }
0xee: {  	[tilespmem:s23], [sflag:$0x3] =	stream.indirect_vreg.gather [hbm4b:s1+s3], $0x80, v2, vm0, $0xb8;
	[tilespmem:$0x10400] =	vst v63  }
0xef: {  	s11 =	simm.s32 $0x4C00  }
0xf0: {  	[tilespmem:s11], [sflag:$0x3] =	stream.indirect_vreg.gather [hbm4b:s5+s3], $0x80, v2, vm0, $0xb8;
	[tilespmem:$0x10400] =	vst v63  }
0xf1: {  	s11 =	simm.s32 $0x5400  }
0xf2: {  	[tilespmem:s11], [sflag:$0x3] =	stream.indirect_vreg.gather [hbm4b:s6+s3], $0x80, v2, vm0, $0xb8;
	[tilespmem:$0x10400] =	vst v63  }
0xf3: {  	s11 =	simm.s32 $0x5C00  }
0xf4: {  	[tilespmem:s11], [sflag:$0x3] =	stream.indirect_vreg.gather [hbm4b:s7+s3], $0x80, v2, vm0, $0xb8;
	[tilespmem:$0x10400] =	vst v63  }
0xf5: {  	_ =	swait.ge [sflag:s12], $0x2000  }
0xf6: {  	[sflag:s12] =	ssyncset.done $0x0  }
0xf7: {  	[sflag:s12] =	ssyncadd.s32 $0xFFFFE000  }
0xf8: {  	v2 =	vld.msk [tilespmem:s20+$0xFFFFFFE0], $0xff;
	_ =	sdelay $0x4  }
0xf9: {  	v3 =	vshll.u32 v2, $0x3  }
0xfa: {  	v2 =	vand.u32 $0x7, v2;
	v3 =	vand.u32 $0xFFFFFFC0, v3  }
0xfb: {  	v2 =	vor.u32 v2, v3  }
0xfc: {  	v2 =	vperm.xlane v2, v0;
	_ =	sdelay $0x1  }
0xfd: {  	v2 =	vadd.s32 v1, v2;
	_ =	sdelay $0x4  }
0xfe: {  	[tilespmem:s28], [sflag:$0x4] =	stream.indirect_vreg.gather [hbm4b:s1+s3], $0x80, v2, vm0, $0xb8;
	[tilespmem:$0x10400] =	vst v63  }
0xff: {  	s11 =	simm.s32 $0x6C00  }
0x100: {  	[tilespmem:s11], [sflag:$0x4] =	stream.indirect_vreg.gather [hbm4b:s5+s3], $0x80, v2, vm0, $0xb8;
	[tilespmem:$0x10400] =	vst v63  }
0x101: {  	s11 =	simm.s32 $0x7400  }
0x102: {  	[tilespmem:s11], [sflag:$0x4] =	stream.indirect_vreg.gather [hbm4b:s6+s3], $0x80, v2, vm0, $0xb8;
	[tilespmem:$0x10400] =	vst v63  }
0x103: {  	s11 =	simm.s32 $0x7C00  }
0x104: {  	[tilespmem:s11], [sflag:$0x4] =	stream.indirect_vreg.gather [hbm4b:s7+s3], $0x80, v2, vm0, $0xb8;
	[tilespmem:$0x10400] =	vst v63  }
0x105: {  	_ =	swait.ge [sflag:s13], $0x2000  }
0x106: {  	[sflag:s13] =	ssyncset.done $0x0  }
0x107: {  	[sflag:s13] =	ssyncadd.s32 $0xFFFFE000  }
0x108: {  	v2 =	vld.msk [tilespmem:s20+$0xFFFFFFE8], $0xff;
	_ =	sdelay $0x4  }
0x109: {  	v3 =	vshll.u32 v2, $0x3  }
0x10a: {  	v2 =	vand.u32 $0x7, v2;
	v3 =	vand.u32 $0xFFFFFFC0, v3  }
0x10b: {  	v2 =	vor.u32 v2, v3  }
0x10c: {  	v2 =	vperm.xlane v2, v0;
	_ =	sdelay $0x1  }
0x10d: {  	v2 =	vadd.s32 v1, v2;
	_ =	sdelay $0x4  }
0x10e: {  	[tilespmem:s0], [sflag:$0x5] =	stream.indirect_vreg.gather [hbm4b:s1+s3], $0x80, v2, vm0, $0xb8;
	[tilespmem:$0x10400] =	vst v63  }
0x10f: {  	s11 =	simm.s32 $0x8C00  }
0x110: {  	[tilespmem:s11], [sflag:$0x5] =	stream.indirect_vreg.gather [hbm4b:s5+s3], $0x80, v2, vm0, $0xb8;
	[tilespmem:$0x10400] =	vst v63  }
0x111: {  	s11 =	simm.s32 $0x9400  }
0x112: {  	[tilespmem:s11], [sflag:$0x5] =	stream.indirect_vreg.gather [hbm4b:s6+s3], $0x80, v2, vm0, $0xb8;
	[tilespmem:$0x10400] =	vst v63  }
0x113: {  	s11 =	simm.s32 $0x9C00  }
0x114: {  	[tilespmem:s11], [sflag:$0x5] =	stream.indirect_vreg.gather [hbm4b:s7+s3], $0x80, v2, vm0, $0xb8;
	[tilespmem:$0x10400] =	vst v63  }
0x115: {  	_ =	swait.ge [sflag:s14], $0x2000  }
0x116: {  	[sflag:s14] =	ssyncset.done $0x0  }
0x117: {  	[sflag:s14] =	ssyncadd.s32 $0xFFFFE000  }
0x118: {  	v2 =	vld.msk [tilespmem:s20+$0xFFFFFFF0], $0xff;
	_ =	sdelay $0x4  }
0x119: {  	v3 =	vshll.u32 v2, $0x3  }
0x11a: {  	v2 =	vand.u32 $0x7, v2;
	v3 =	vand.u32 $0xFFFFFFC0, v3  }
0x11b: {  	v2 =	vor.u32 v2, v3  }
0x11c: {  	v2 =	vperm.xlane v2, v0;
	_ =	sdelay $0x1  }
0x11d: {  	v2 =	vadd.s32 v1, v2;
	_ =	sdelay $0x4  }
0x11e: {  	[tilespmem:s10], [sflag:$0x6] =	stream.indirect_vreg.gather [hbm4b:s1+s3], $0x80, v2, vm0, $0xb8;
	[tilespmem:$0x10400] =	vst v63  }
0x11f: {  	s11 =	simm.s32 $0xAC00  }
0x120: {  	[tilespmem:s11], [sflag:$0x6] =	stream.indirect_vreg.gather [hbm4b:s5+s3], $0x80, v2, vm0, $0xb8;
	[tilespmem:$0x10400] =	vst v63  }
0x121: {  	s11 =	simm.s32 $0xB400  }
0x122: {  	[tilespmem:s11], [sflag:$0x6] =	stream.indirect_vreg.gather [hbm4b:s6+s3], $0x80, v2, vm0, $0xb8;
	[tilespmem:$0x10400] =	vst v63  }
0x123: {  	s11 =	simm.s32 $0xBC00  }
0x124: {  	[tilespmem:s11], [sflag:$0x6] =	stream.indirect_vreg.gather [hbm4b:s7+s3], $0x80, v2, vm0, $0xb8;
	[tilespmem:$0x10400] =	vst v63  }
0x125: {  	_ =	swait.ge [sflag:s17], $0x2000  }
0x126: {  	[sflag:s17] =	ssyncset.done $0x0  }
0x127: {  	[sflag:s17] =	ssyncadd.s32 $0xFFFFE000  }
0x128: {  	v2 =	vld.msk [tilespmem:s20+$0xFFFFFFF8], $0xff;
	_ =	sdelay $0x4  }
0x129: {  	v3 =	vshll.u32 v2, $0x3  }
0x12a: {  	v2 =	vand.u32 $0x7, v2;
	v3 =	vand.u32 $0xFFFFFFC0, v3  }
0x12b: {  	v2 =	vor.u32 v2, v3  }
0x12c: {  	v2 =	vperm.xlane v2, v0;
	_ =	sdelay $0x1  }
0x12d: {  	v2 =	vadd.s32 v1, v2;
	_ =	sdelay $0x4  }
0x12e: {  	[tilespmem:s16], [sflag:$0x7] =	stream.indirect_vreg.gather [hbm4b:s1+s3], $0x80, v2, vm0, $0xb8;
	[tilespmem:$0x10400] =	vst v63  }
0x12f: {  	s11 =	simm.s32 $0xCC00  }
0x130: {  	[tilespmem:s11], [sflag:$0x7] =	stream.indirect_vreg.gather [hbm4b:s5+s3], $0x80, v2, vm0, $0xb8;
	[tilespmem:$0x10400] =	vst v63  }
0x131: {  	s11 =	simm.s32 $0xD400  }
0x132: {  	[tilespmem:s11], [sflag:$0x7] =	stream.indirect_vreg.gather [hbm4b:s6+s3], $0x80, v2, vm0, $0xb8;
	[tilespmem:$0x10400] =	vst v63  }
0x133: {  	s11 =	simm.s32 $0xDC00  }
0x134: {  	[tilespmem:s11], [sflag:$0x7] =	stream.indirect_vreg.gather [hbm4b:s7+s3], $0x80, v2, vm0, $0xb8;
	[tilespmem:$0x10400] =	vst v63  }
0x135: {  	_ =	swait.ge [sflag:s18], $0x2000  }
0x136: {  	[sflag:s18] =	ssyncset.done $0x0  }
0x137: {  	[sflag:s18] =	ssyncadd.s32 $0xFFFFE000  }
0x138: {  	v2 =	vld.msk [tilespmem:s20+$0x0], $0xff;
	_ =	sdelay $0x4  }
0x139: {  	v3 =	vshll.u32 v2, $0x3  }
0x13a: {  	v2 =	vand.u32 $0x7, v2;
	v3 =	vand.u32 $0xFFFFFFC0, v3  }
0x13b: {  	v2 =	vor.u32 v2, v3  }
0x13c: {  	v2 =	vperm.xlane v2, v0;
	_ =	sdelay $0x1  }
0x13d: {  	v2 =	vadd.s32 v1, v2;
	_ =	sdelay $0x3  }
0x13e: {  	s9 =	sadd.s32 $0x2000, s9  }
0x13f: {  	[tilespmem:s21], [sflag:$0x8] =	stream.indirect_vreg.gather [hbm4b:s1+s3], $0x80, v2, vm0, $0xb8;
	[tilespmem:$0x10400] =	vst v63  }
0x140: {  	p0 =	sne.s32 s9, $0x20000;
	s11 =	simm.s32 $0xEC00  }
0x141: {  	[tilespmem:s11], [sflag:$0x8] =	stream.indirect_vreg.gather [hbm4b:s5+s3], $0x80, v2, vm0, $0xb8;
	[tilespmem:$0x10400] =	vst v63  }
.Ltmp3:
0x142: {  	_ = 	snop;
	(pc) =	sbr.rel @p0 .LBB2_2-.Ltmp3, $4  }
.Ltmp4:
0x143: {  	s11 =	simm.s32 $0xF400;
	(pc) =	sbr.rel @!p0 .LBB2_4-.Ltmp4, $4  }
0x144: {  	[tilespmem:s11], [sflag:$0x8] =	stream.indirect_vreg.gather [hbm4b:s6+s3], $0x80, v2, vm0, $0xb8;
	[tilespmem:$0x10400] =	vst v63  }
0x145: {  	s20 =	sadd.s32 $0x40, s20;
	s11 =	simm.s32 $0xFC00  }
0x146: {  	[tilespmem:s11], [sflag:$0x8] =	stream.indirect_vreg.gather [hbm4b:s7+s3], $0x80, v2, vm0, $0xb8;
	[tilespmem:$0x10400] =	vst v63  }
0x147: {  	_ = 	snop  }
.LBB2_5:
0x148: {  	_ =	sfence.sel $0x180000  }
0x149: {  	[bflag:$0x0] =	sbarrier.arrive $0xFFFF  }
0x14a: {  	_ =	strace $0x90000047  }
0x14b: {  	s0 =	stileid.u32;
	[bflag:$0x2] =	sbarrier.arrive $0xFFFF  }
0x14c: {  	p0 =	sne.s32 s0, $0x0;
	s0 =	rddreg [dreg:$0x3]  }
0x14d: {  	s0 =	sadd.s32 @!p0 $0x100000, s0  }
0x14e: {  	[sflag:s0] =	ssyncadd.tile.s32 @!p0 $0x1;
	_ =	shalt  }
.Lfunc_end2:
_tile_overlayer_lowered:
.L_overlay_start_2:
0x14f: {  	(tag) =	ssettag $0x2  }
0x150: {  	s0 =	rddreg [dreg:$0x0];
	s2 =	stileid.u32  }
0x151: {  	s1 =	rddreg [dreg:$0x1];
	p0 =	sne.s32 s2, $0x0  }
0x152: {  	s3 =	rddreg [dreg:$0x2];
	[bflag:$0x3] =	sbarrier.arrive $0xFFFF;
	s2 =	simm.s32 @!p0 $0x1C11  }
0x153: {  	[timem:s3], [sflag:s2] =	dma.local @!p0 [hbm:s0], s1  }
0x154: {  	s0 =	simm.s32 @!p0 $0x11  }
0x155: {  	_ =	swait.ge @!p0 [sflag:s0], s1  }
0x156: {  	s1 =	ssub.s32 @!p0 $0x0, s1;
	[sflag:s0] =	ssyncset.done @!p0 $0x0  }
0x157: {  	[sflag:s0] =	ssyncadd.s32 @!p0 s1  }
0x158: {  	[bflag:$0x3] =	sbarrier.arrive $0xFFFF  }
0x159: {  	_ =	shalt  }

</sc_bundles>
